<compile_context>
chip_gen: v7x
topology: tpu7x:2x2x1
jax: 0.10.2.dev20260603
libtpu: 0.0.44.dev20260713+nightly
codegen_flags: <defaults>
</compile_context>

<pallas_src>
import functools

import jax
import jax.numpy as jnp
from jax import lax
from jax.experimental import pallas as pl
from jax.experimental.pallas import tpu as pltpu
from jax.experimental.pallas import tpu_sc as plsc

NUM_NODES = 1000000
DIM = 32

NC = 2
NS = 16
NW = NC * NS
COLS_PER_W = 31232
CHUNK = 1920
CHUNK_TAIL = 512
NCHUNK = 17
TAIL_BASE = COLS_PER_W * NW
TAIL0 = 512
TAIL1 = 64
NBUF = 2


def _chunk(g):
    return (g * CHUNK, CHUNK) if g < NCHUNK - 1 else ((NCHUNK - 1) * CHUNK, CHUNK_TAIL)


@functools.partial(
    pl.kernel,
    out_type=jax.ShapeDtypeStruct((DIM, NUM_NODES), jnp.float32),
    mesh=plsc.VectorSubcoreMesh(core_axis_name="c", subcore_axis_name="s"),
    scratch_types=[
        pltpu.VMEM((NBUF, DIM, CHUNK), jnp.float32),
        pltpu.VMEM((DIM, TAIL1), jnp.float32),
        pltpu.SemaphoreType.DMA,
        pltpu.SemaphoreType.DMA,
        pltpu.SemaphoreType.DMA,
        pltpu.SemaphoreType.DMA,
    ],
)
def _copy_table(wt_hbm, out_hbm, buf, tbuf, sem_in0, sem_in1, sem_out0, sem_out1):
    wid = lax.axis_index("s") * NC + lax.axis_index("c")
    base = pl.multiple_of(wid * COLS_PER_W, 128)
    sem_in = (sem_in0, sem_in1)
    sem_out = (sem_out0, sem_out1)

    def in_copy(g):
        b = g % NBUF
        off, w = _chunk(g)
        return pltpu.make_async_copy(
            wt_hbm.at[:, pl.ds(base + off, w)],
            buf.at[b, :, pl.ds(0, w)],
            sem_in[b],
        )

    def out_copy(g):
        b = g % NBUF
        off, w = _chunk(g)
        return pltpu.make_async_copy(
            buf.at[b, :, pl.ds(0, w)],
            out_hbm.at[:, pl.ds(base + off, w)],
            sem_out[b],
        )

    in_copy(0).start()
    in_copy(1).start()
    for g in range(NCHUNK):
        in_copy(g).wait()
        out_copy(g).start()
        if g + 2 < NCHUNK:
            out_copy(g).wait()
            in_copy(g + 2).start()
    out_copy(NCHUNK - 2).wait()
    out_copy(NCHUNK - 1).wait()

    @pl.when(wid == NW - 2)
    def _tail0():
        pltpu.sync_copy(
            wt_hbm.at[:, pl.ds(TAIL_BASE, TAIL0)], buf.at[0, :, pl.ds(0, TAIL0)]
        )
        pltpu.sync_copy(
            buf.at[0, :, pl.ds(0, TAIL0)], out_hbm.at[:, pl.ds(TAIL_BASE, TAIL0)]
        )

    @pl.when(wid == NW - 1)
    def _tail1():
        pltpu.sync_copy(wt_hbm.at[:, pl.ds(TAIL_BASE + TAIL0, TAIL1)], tbuf)
        pltpu.sync_copy(tbuf, out_hbm.at[:, pl.ds(TAIL_BASE + TAIL0, TAIL1)])


def kernel(W):
    return _copy_table(W.T).T

# --- scband reference (transcript-rebuilt; emitter-appended) ---
"""Pipeline reference for scband-mtgnn-graph-learning-27118423507542 (READ-ONLY COPY).

The authoritative reference and input builder live on the scoring server;
editing this copy changes nothing except your own understanding.
"""

import jax, jax.numpy as jnp
import numpy as np

NUM_NODES = 1000000
DIM = 32


def setup_inputs(seed: int = 0) -> dict:
    key = jax.random.key(seed)
    # Embedding table initialized xavier-uniform style, per _reset_parameters
    limit = float(np.sqrt(6.0 / (NUM_NODES + DIM)))
    W = jax.random.uniform(key, (NUM_NODES, DIM), dtype=jnp.float32, minval=-limit, maxval=limit)
    return {"W": W}


def reference(W) -> jnp.ndarray:
    # forward(): nodevec = embedding(arange(num_nodes)); sampling != 'Gumbel_softmax'
    # so the output is the full-table embedding lookup (dense gather).
    idx = jnp.arange(NUM_NODES)
    nodevec = jnp.take(W, idx, axis=0)
    return nodevec

if __name__ == "__main__":
    import jax
    _d = setup_inputs()
    print(jax.jit(kernel)(*tuple(_d.values())))

</pallas_src>

<mosaic_0001>
#map = affine_map<(d0, d1) -> (0, 0)>
module attributes {stable_mosaic.version = 14 : i64} {
  func.func @_copy_table(%arg0: i32, %arg1: i32, %arg2: memref<32x1000000xf32, #tpu.memory_space<hbm>>, %arg3: memref<32x1000000xf32, #tpu.memory_space<hbm>>, %arg4: memref<2x32x1920xf32, #tpu.memory_space<vmem>>, %arg5: memref<32x64xf32, #tpu.memory_space<vmem>>, %arg6: memref<!tpu.dma_semaphore, #tpu.memory_space<semaphore_mem>>, %arg7: memref<!tpu.dma_semaphore, #tpu.memory_space<semaphore_mem>>, %arg8: memref<!tpu.dma_semaphore, #tpu.memory_space<semaphore_mem>>, %arg9: memref<!tpu.dma_semaphore, #tpu.memory_space<semaphore_mem>>) attributes {dimension_semantics = [#tpu.dimension_semantics<core_parallel>, #tpu.dimension_semantics<subcore_parallel>], iteration_bounds = array<i64: 2, 16>, scalar_prefetch = 0 : i64, scratch_operands = 6 : i64, tpu.core_type = #tpu.core_type<sc_vector_subcore>, window_params = [{transform_indices = #map}, {transform_indices = #map}]} {
    %mul3A = arith.constant 2 : i32
    %mul3A_0 = arith.muli %arg1, %mul3A : i32
    %add3A = arith.addi %mul3A_0, %arg0 : i32
    %mul3A_1 = arith.constant 31232 : i32
    %mul3A_2 = arith.muli %add3A, %mul3A_1 : i32
    %multiple_of3A = tpu.assume_multiple %mul3A_2, 128 : i32
    %add3A_3 = arith.constant 0 : i32
    %add3A_4 = arith.addi %multiple_of3A, %add3A_3 : i32
    %dma_start3A = arith.constant 0 : i32
    %dma_start3A_5 = arith.constant 0 : i32
    %dma_start3A_6 = arith.constant 0 : i32
    %dma_start3A_7 = tpu.memref_slice %arg4[%dma_start3A, %dma_start3A_5, %dma_start3A_6] : memref<2x32x1920xf32, #tpu.memory_space<vmem>> -> memref<1x32x1920xf32, #tpu.memory_space<vmem>>
    %dma_start3A_8 = tpu.memref_squeeze %dma_start3A_7 : memref<1x32x1920xf32, #tpu.memory_space<vmem>> -> memref<32x1920xf32, #tpu.memory_space<vmem>>
    %dma_start3A_9 = arith.constant 0 : i32
    %dma_start3A_10 = tpu.memref_slice %arg2[%dma_start3A_9, %add3A_4] : memref<32x1000000xf32, #tpu.memory_space<hbm>> -> memref<32x1920xf32, #tpu.memory_space<hbm>>
    %dma_start3A_11 = arith.constant 0 : i32
    %dma_start3A_12 = arith.constant 0 : i32
    %dma_start3A_13 = tpu.memref_slice %arg4[%dma_start3A, %dma_start3A_11, %dma_start3A_12] : memref<2x32x1920xf32, #tpu.memory_space<vmem>> -> memref<1x32x1920xf32, #tpu.memory_space<vmem>>
    %dma_start3A_14 = tpu.memref_squeeze %dma_start3A_13 : memref<1x32x1920xf32, #tpu.memory_space<vmem>> -> memref<32x1920xf32, #tpu.memory_space<vmem>>
    %dma_start3A_15 = arith.constant 0 : i32
    %dma_start3A_16 = tpu.memref_slice %arg2[%dma_start3A_15, %add3A_4] : memref<32x1000000xf32, #tpu.memory_space<hbm>> -> memref<32x1920xf32, #tpu.memory_space<hbm>>
    tpu.enqueue_dma source(%dma_start3A_16 : memref<32x1920xf32, #tpu.memory_space<hbm>>) target(%dma_start3A_14 : memref<32x1920xf32, #tpu.memory_space<vmem>>) target_semaphore(%arg6 : memref<!tpu.dma_semaphore, #tpu.memory_space<semaphore_mem>>)
    %add3A_17 = arith.constant 1920 : i32
    %add3A_18 = arith.addi %multiple_of3A, %add3A_17 : i32
    %dma_start3A_19 = arith.constant 1 : i32
    %dma_start3A_20 = arith.constant 0 : i32
    %dma_start3A_21 = arith.constant 0 : i32
    %dma_start3A_22 = tpu.memref_slice %arg4[%dma_start3A_19, %dma_start3A_20, %dma_start3A_21] : memref<2x32x1920xf32, #tpu.memory_space<vmem>> -> memref<1x32x1920xf32, #tpu.memory_space<vmem>>
    %dma_start3A_23 = tpu.memref_squeeze %dma_start3A_22 : memref<1x32x1920xf32, #tpu.memory_space<vmem>> -> memref<32x1920xf32, #tpu.memory_space<vmem>>
    %dma_start3A_24 = arith.constant 0 : i32
    %dma_start3A_25 = tpu.memref_slice %arg2[%dma_start3A_24, %add3A_18] : memref<32x1000000xf32, #tpu.memory_space<hbm>> -> memref<32x1920xf32, #tpu.memory_space<hbm>>
    %dma_start3A_26 = arith.constant 0 : i32
    %dma_start3A_27 = arith.constant 0 : i32
    %dma_start3A_28 = tpu.memref_slice %arg4[%dma_start3A_19, %dma_start3A_26, %dma_start3A_27] : memref<2x32x1920xf32, #tpu.memory_space<vmem>> -> memref<1x32x1920xf32, #tpu.memory_space<vmem>>
    %dma_start3A_29 = tpu.memref_squeeze %dma_start3A_28 : memref<1x32x1920xf32, #tpu.memory_space<vmem>> -> memref<32x1920xf32, #tpu.memory_space<vmem>>
    %dma_start3A_30 = arith.constant 0 : i32
    %dma_start3A_31 = tpu.memref_slice %arg2[%dma_start3A_30, %add3A_18] : memref<32x1000000xf32, #tpu.memory_space<hbm>> -> memref<32x1920xf32, #tpu.memory_space<hbm>>
    tpu.enqueue_dma source(%dma_start3A_31 : memref<32x1920xf32, #tpu.memory_space<hbm>>) target(%dma_start3A_29 : memref<32x1920xf32, #tpu.memory_space<vmem>>) target_semaphore(%arg7 : memref<!tpu.dma_semaphore, #tpu.memory_space<semaphore_mem>>)
    %add3A_32 = arith.constant 0 : i32
    %add3A_33 = arith.addi %multiple_of3A, %add3A_32 : i32
    %dma_wait3A = arith.constant 0 : i32
    %dma_wait3A_34 = arith.constant 0 : i32
    %dma_wait3A_35 = arith.constant 0 : i32
    %dma_wait3A_36 = tpu.memref_slice %arg4[%dma_wait3A, %dma_wait3A_34, %dma_wait3A_35] : memref<2x32x1920xf32, #tpu.memory_space<vmem>> -> memref<1x32x1920xf32, #tpu.memory_space<vmem>>
    %dma_wait3A_37 = tpu.memref_squeeze %dma_wait3A_36 : memref<1x32x1920xf32, #tpu.memory_space<vmem>> -> memref<32x1920xf32, #tpu.memory_space<vmem>>
    %dma_wait3A_38 = arith.constant 0 : i32
    %dma_wait3A_39 = tpu.memref_slice %arg2[%dma_wait3A_38, %add3A_33] : memref<32x1000000xf32, #tpu.memory_space<hbm>> -> memref<32x1920xf32, #tpu.memory_space<hbm>>
    %dma_wait3A_40 = arith.constant 0 : i32
    %dma_wait3A_41 = arith.constant 0 : i32
    %dma_wait3A_42 = tpu.memref_slice %arg4[%dma_wait3A, %dma_wait3A_40, %dma_wait3A_41] : memref<2x32x1920xf32, #tpu.memory_space<vmem>> -> memref<1x32x1920xf32, #tpu.memory_space<vmem>>
    %dma_wait3A_43 = tpu.memref_squeeze %dma_wait3A_42 : memref<1x32x1920xf32, #tpu.memory_space<vmem>> -> memref<32x1920xf32, #tpu.memory_space<vmem>>
    %dma_wait3A_44 = arith.constant 0 : i32
    %dma_wait3A_45 = tpu.memref_slice %arg2[%dma_wait3A_44, %add3A_33] : memref<32x1000000xf32, #tpu.memory_space<hbm>> -> memref<32x1920xf32, #tpu.memory_space<hbm>>
    tpu.wait_dma2 semaphore(%arg6 : memref<!tpu.dma_semaphore, #tpu.memory_space<semaphore_mem>>) src(%dma_wait3A_45 : memref<32x1920xf32, #tpu.memory_space<hbm>>) dst(%dma_wait3A_43 : memref<32x1920xf32, #tpu.memory_space<vmem>>)
    %add3A_46 = arith.constant 0 : i32
    %add3A_47 = arith.addi %multiple_of3A, %add3A_46 : i32
    %dma_start3A_48 = arith.constant 0 : i32
    %dma_start3A_49 = arith.constant 0 : i32
    %dma_start3A_50 = arith.constant 0 : i32
    %dma_start3A_51 = tpu.memref_slice %arg4[%dma_start3A_48, %dma_start3A_49, %dma_start3A_50] : memref<2x32x1920xf32, #tpu.memory_space<vmem>> -> memref<1x32x1920xf32, #tpu.memory_space<vmem>>
    %dma_start3A_52 = tpu.memref_squeeze %dma_start3A_51 : memref<1x32x1920xf32, #tpu.memory_space<vmem>> -> memref<32x1920xf32, #tpu.memory_space<vmem>>
    %dma_start3A_53 = arith.constant 0 : i32
    %dma_start3A_54 = tpu.memref_slice %arg3[%dma_start3A_53, %add3A_47] : memref<32x1000000xf32, #tpu.memory_space<hbm>> -> memref<32x1920xf32, #tpu.memory_space<hbm>>
    %dma_start3A_55 = arith.constant 0 : i32
    %dma_start3A_56 = tpu.memref_slice %arg3[%dma_start3A_55, %add3A_47] : memref<32x1000000xf32, #tpu.memory_space<hbm>> -> memref<32x1920xf32, #tpu.memory_space<hbm>>
    %dma_start3A_57 = arith.constant 0 : i32
    %dma_start3A_58 = arith.constant 0 : i32
    %dma_start3A_59 = tpu.memref_slice %arg4[%dma_start3A_48, %dma_start3A_57, %dma_start3A_58] : memref<2x32x1920xf32, #tpu.memory_space<vmem>> -> memref<1x32x1920xf32, #tpu.memory_space<vmem>>
    %dma_start3A_60 = tpu.memref_squeeze %dma_start3A_59 : memref<1x32x1920xf32, #tpu.memory_space<vmem>> -> memref<32x1920xf32, #tpu.memory_space<vmem>>
    tpu.enqueue_dma source(%dma_start3A_60 : memref<32x1920xf32, #tpu.memory_space<vmem>>) target(%dma_start3A_56 : memref<32x1920xf32, #tpu.memory_space<hbm>>) target_semaphore(%arg8 : memref<!tpu.dma_semaphore, #tpu.memory_space<semaphore_mem>>)
    %add3A_61 = arith.constant 0 : i32
    %add3A_62 = arith.addi %multiple_of3A, %add3A_61 : i32
    %dma_wait3A_63 = arith.constant 0 : i32
    %dma_wait3A_64 = arith.constant 0 : i32
    %dma_wait3A_65 = arith.constant 0 : i32
    %dma_wait3A_66 = tpu.memref_slice %arg4[%dma_wait3A_63, %dma_wait3A_64, %dma_wait3A_65] : memref<2x32x1920xf32, #tpu.memory_space<vmem>> -> memref<1x32x1920xf32, #tpu.memory_space<vmem>>
    %dma_wait3A_67 = tpu.memref_squeeze %dma_wait3A_66 : memref<1x32x1920xf32, #tpu.memory_space<vmem>> -> memref<32x1920xf32, #tpu.memory_space<vmem>>
    %dma_wait3A_68 = arith.constant 0 : i32
    %dma_wait3A_69 = tpu.memref_slice %arg3[%dma_wait3A_68, %add3A_62] : memref<32x1000000xf32, #tpu.memory_space<hbm>> -> memref<32x1920xf32, #tpu.memory_space<hbm>>
    %dma_wait3A_70 = arith.constant 0 : i32
    %dma_wait3A_71 = tpu.memref_slice %arg3[%dma_wait3A_70, %add3A_62] : memref<32x1000000xf32, #tpu.memory_space<hbm>> -> memref<32x1920xf32, #tpu.memory_space<hbm>>
    %dma_wait3A_72 = arith.constant 0 : i32
    %dma_wait3A_73 = arith.constant 0 : i32
    %dma_wait3A_74 = tpu.memref_slice %arg4[%dma_wait3A_63, %dma_wait3A_72, %dma_wait3A_73] : memref<2x32x1920xf32, #tpu.memory_space<vmem>> -> memref<1x32x1920xf32, #tpu.memory_space<vmem>>
    %dma_wait3A_75 = tpu.memref_squeeze %dma_wait3A_74 : memref<1x32x1920xf32, #tpu.memory_space<vmem>> -> memref<32x1920xf32, #tpu.memory_space<vmem>>
    tpu.wait_dma2 semaphore(%arg8 : memref<!tpu.dma_semaphore, #tpu.memory_space<semaphore_mem>>) src(%dma_wait3A_75 : memref<32x1920xf32, #tpu.memory_space<vmem>>) dst(%dma_wait3A_71 : memref<32x1920xf32, #tpu.memory_space<hbm>>)
    %add3A_76 = arith.constant 3840 : i32
    %add3A_77 = arith.addi %multiple_of3A, %add3A_76 : i32
    %dma_start3A_78 = arith.constant 0 : i32
    %dma_start3A_79 = arith.constant 0 : i32
    %dma_start3A_80 = arith.constant 0 : i32
    %dma_start3A_81 = tpu.memref_slice %arg4[%dma_start3A_78, %dma_start3A_79, %dma_start3A_80] : memref<2x32x1920xf32, #tpu.memory_space<vmem>> -> memref<1x32x1920xf32, #tpu.memory_space<vmem>>
    %dma_start3A_82 = tpu.memref_squeeze %dma_start3A_81 : memref<1x32x1920xf32, #tpu.memory_space<vmem>> -> memref<32x1920xf32, #tpu.memory_space<vmem>>
    %dma_start3A_83 = arith.constant 0 : i32
    %dma_start3A_84 = tpu.memref_slice %arg2[%dma_start3A_83, %add3A_77] : memref<32x1000000xf32, #tpu.memory_space<hbm>> -> memref<32x1920xf32, #tpu.memory_space<hbm>>
    %dma_start3A_85 = arith.constant 0 : i32
    %dma_start3A_86 = arith.constant 0 : i32
    %dma_start3A_87 = tpu.memref_slice %arg4[%dma_start3A_78, %dma_start3A_85, %dma_start3A_86] : memref<2x32x1920xf32, #tpu.memory_space<vmem>> -> memref<1x32x1920xf32, #tpu.memory_space<vmem>>
    %dma_start3A_88 = tpu.memref_squeeze %dma_start3A_87 : memref<1x32x1920xf32, #tpu.memory_space<vmem>> -> memref<32x1920xf32, #tpu.memory_space<vmem>>
    %dma_start3A_89 = arith.constant 0 : i32
    %dma_start3A_90 = tpu.memref_slice %arg2[%dma_start3A_89, %add3A_77] : memref<32x1000000xf32, #tpu.memory_space<hbm>> -> memref<32x1920xf32, #tpu.memory_space<hbm>>
    tpu.enqueue_dma source(%dma_start3A_90 : memref<32x1920xf32, #tpu.memory_space<hbm>>) target(%dma_start3A_88 : memref<32x1920xf32, #tpu.memory_space<vmem>>) target_semaphore(%arg6 : memref<!tpu.dma_semaphore, #tpu.memory_space<semaphore_mem>>)
    %add3A_91 = arith.constant 1920 : i32
    %add3A_92 = arith.addi %multiple_of3A, %add3A_91 : i32
    %dma_wait3A_93 = arith.constant 1 : i32
    %dma_wait3A_94 = arith.constant 0 : i32
    %dma_wait3A_95 = arith.constant 0 : i32
    %dma_wait3A_96 = tpu.memref_slice %arg4[%dma_wait3A_93, %dma_wait3A_94, %dma_wait3A_95] : memref<2x32x1920xf32, #tpu.memory_space<vmem>> -> memref<1x32x1920xf32, #tpu.memory_space<vmem>>
    %dma_wait3A_97 = tpu.memref_squeeze %dma_wait3A_96 : memref<1x32x1920xf32, #tpu.memory_space<vmem>> -> memref<32x1920xf32, #tpu.memory_space<vmem>>
    %dma_wait3A_98 = arith.constant 0 : i32
    %dma_wait3A_99 = tpu.memref_slice %arg2[%dma_wait3A_98, %add3A_92] : memref<32x1000000xf32, #tpu.memory_space<hbm>> -> memref<32x1920xf32, #tpu.memory_space<hbm>>
    %dma_wait3A_100 = arith.constant 0 : i32
    %dma_wait3A_101 = arith.constant 0 : i32
    %dma_wait3A_102 = tpu.memref_slice %arg4[%dma_wait3A_93, %dma_wait3A_100, %dma_wait3A_101] : memref<2x32x1920xf32, #tpu.memory_space<vmem>> -> memref<1x32x1920xf32, #tpu.memory_space<vmem>>
    %dma_wait3A_103 = tpu.memref_squeeze %dma_wait3A_102 : memref<1x32x1920xf32, #tpu.memory_space<vmem>> -> memref<32x1920xf32, #tpu.memory_space<vmem>>
    %dma_wait3A_104 = arith.constant 0 : i32
    %dma_wait3A_105 = tpu.memref_slice %arg2[%dma_wait3A_104, %add3A_92] : memref<32x1000000xf32, #tpu.memory_space<hbm>> -> memref<32x1920xf32, #tpu.memory_space<hbm>>
    tpu.wait_dma2 semaphore(%arg7 : memref<!tpu.dma_semaphore, #tpu.memory_space<semaphore_mem>>) src(%dma_wait3A_105 : memref<32x1920xf32, #tpu.memory_space<hbm>>) dst(%dma_wait3A_103 : memref<32x1920xf32, #tpu.memory_space<vmem>>)
    %add3A_106 = arith.constant 1920 : i32
    %add3A_107 = arith.addi %multiple_of3A, %add3A_106 : i32
    %dma_start3A_108 = arith.constant 1 : i32
    %dma_start3A_109 = arith.constant 0 : i32
    %dma_start3A_110 = arith.constant 0 : i32
    %dma_start3A_111 = tpu.memref_slice %arg4[%dma_start3A_108, %dma_start3A_109, %dma_start3A_110] : memref<2x32x1920xf32, #tpu.memory_space<vmem>> -> memref<1x32x1920xf32, #tpu.memory_space<vmem>>
    %dma_start3A_112 = tpu.memref_squeeze %dma_start3A_111 : memref<1x32x1920xf32, #tpu.memory_space<vmem>> -> memref<32x1920xf32, #tpu.memory_space<vmem>>
    %dma_start3A_113 = arith.constant 0 : i32
    %dma_start3A_114 = tpu.memref_slice %arg3[%dma_start3A_113, %add3A_107] : memref<32x1000000xf32, #tpu.memory_space<hbm>> -> memref<32x1920xf32, #tpu.memory_space<hbm>>
    %dma_start3A_115 = arith.constant 0 : i32
    %dma_start3A_116 = tpu.memref_slice %arg3[%dma_start3A_115, %add3A_107] : memref<32x1000000xf32, #tpu.memory_space<hbm>> -> memref<32x1920xf32, #tpu.memory_space<hbm>>
    %dma_start3A_117 = arith.constant 0 : i32
    %dma_start3A_118 = arith.constant 0 : i32
    %dma_start3A_119 = tpu.memref_slice %arg4[%dma_start3A_108, %dma_start3A_117, %dma_start3A_118] : memref<2x32x1920xf32, #tpu.memory_space<vmem>> -> memref<1x32x1920xf32, #tpu.memory_space<vmem>>
    %dma_start3A_120 = tpu.memref_squeeze %dma_start3A_119 : memref<1x32x1920xf32, #tpu.memory_space<vmem>> -> memref<32x1920xf32, #tpu.memory_space<vmem>>
    tpu.enqueue_dma source(%dma_start3A_120 : memref<32x1920xf32, #tpu.memory_space<vmem>>) target(%dma_start3A_116 : memref<32x1920xf32, #tpu.memory_space<hbm>>) target_semaphore(%arg9 : memref<!tpu.dma_semaphore, #tpu.memory_space<semaphore_mem>>)
    %add3A_121 = arith.constant 1920 : i32
    %add3A_122 = arith.addi %multiple_of3A, %add3A_121 : i32
    %dma_wait3A_123 = arith.constant 1 : i32
    %dma_wait3A_124 = arith.constant 0 : i32
    %dma_wait3A_125 = arith.constant 0 : i32
    %dma_wait3A_126 = tpu.memref_slice %arg4[%dma_wait3A_123, %dma_wait3A_124, %dma_wait3A_125] : memref<2x32x1920xf32, #tpu.memory_space<vmem>> -> memref<1x32x1920xf32, #tpu.memory_space<vmem>>
    %dma_wait3A_127 = tpu.memref_squeeze %dma_wait3A_126 : memref<1x32x1920xf32, #tpu.memory_space<vmem>> -> memref<32x1920xf32, #tpu.memory_space<vmem>>
    %dma_wait3A_128 = arith.constant 0 : i32
    %dma_wait3A_129 = tpu.memref_slice %arg3[%dma_wait3A_128, %add3A_122] : memref<32x1000000xf32, #tpu.memory_space<hbm>> -> memref<32x1920xf32, #tpu.memory_space<hbm>>
    %dma_wait3A_130 = arith.constant 0 : i32
    %dma_wait3A_131 = tpu.memref_slice %arg3[%dma_wait3A_130, %add3A_122] : memref<32x1000000xf32, #tpu.memory_space<hbm>> -> memref<32x1920xf32, #tpu.memory_space<hbm>>
    %dma_wait3A_132 = arith.constant 0 : i32
    %dma_wait3A_133 = arith.constant 0 : i32
    %dma_wait3A_134 = tpu.memref_slice %arg4[%dma_wait3A_123, %dma_wait3A_132, %dma_wait3A_133] : memref<2x32x1920xf32, #tpu.memory_space<vmem>> -> memref<1x32x1920xf32, #tpu.memory_space<vmem>>
    %dma_wait3A_135 = tpu.memref_squeeze %dma_wait3A_134 : memref<1x32x1920xf32, #tpu.memory_space<vmem>> -> memref<32x1920xf32, #tpu.memory_space<vmem>>
    tpu.wait_dma2 semaphore(%arg9 : memref<!tpu.dma_semaphore, #tpu.memory_space<semaphore_mem>>) src(%dma_wait3A_135 : memref<32x1920xf32, #tpu.memory_space<vmem>>) dst(%dma_wait3A_131 : memref<32x1920xf32, #tpu.memory_space<hbm>>)
    %add3A_136 = arith.constant 5760 : i32
    %add3A_137 = arith.addi %multiple_of3A, %add3A_136 : i32
    %dma_start3A_138 = arith.constant 1 : i32
    %dma_start3A_139 = arith.constant 0 : i32
    %dma_start3A_140 = arith.constant 0 : i32
    %dma_start3A_141 = tpu.memref_slice %arg4[%dma_start3A_138, %dma_start3A_139, %dma_start3A_140] : memref<2x32x1920xf32, #tpu.memory_space<vmem>> -> memref<1x32x1920xf32, #tpu.memory_space<vmem>>
    %dma_start3A_142 = tpu.memref_squeeze %dma_start3A_141 : memref<1x32x1920xf32, #tpu.memory_space<vmem>> -> memref<32x1920xf32, #tpu.memory_space<vmem>>
    %dma_start3A_143 = arith.constant 0 : i32
    %dma_start3A_144 = tpu.memref_slice %arg2[%dma_start3A_143, %add3A_137] : memref<32x1000000xf32, #tpu.memory_space<hbm>> -> memref<32x1920xf32, #tpu.memory_space<hbm>>
    %dma_start3A_145 = arith.constant 0 : i32
    %dma_start3A_146 = arith.constant 0 : i32
    %dma_start3A_147 = tpu.memref_slice %arg4[%dma_start3A_138, %dma_start3A_145, %dma_start3A_146] : memref<2x32x1920xf32, #tpu.memory_space<vmem>> -> memref<1x32x1920xf32, #tpu.memory_space<vmem>>
    %dma_start3A_148 = tpu.memref_squeeze %dma_start3A_147 : memref<1x32x1920xf32, #tpu.memory_space<vmem>> -> memref<32x1920xf32, #tpu.memory_space<vmem>>
    %dma_start3A_149 = arith.constant 0 : i32
    %dma_start3A_150 = tpu.memref_slice %arg2[%dma_start3A_149, %add3A_137] : memref<32x1000000xf32, #tpu.memory_space<hbm>> -> memref<32x1920xf32, #tpu.memory_space<hbm>>
    tpu.enqueue_dma source(%dma_start3A_150 : memref<32x1920xf32, #tpu.memory_space<hbm>>) target(%dma_start3A_148 : memref<32x1920xf32, #tpu.memory_space<vmem>>) target_semaphore(%arg7 : memref<!tpu.dma_semaphore, #tpu.memory_space<semaphore_mem>>)
    %add3A_151 = arith.constant 3840 : i32
    %add3A_152 = arith.addi %multiple_of3A, %add3A_151 : i32
    %dma_wait3A_153 = arith.constant 0 : i32
    %dma_wait3A_154 = arith.constant 0 : i32
    %dma_wait3A_155 = arith.constant 0 : i32
    %dma_wait3A_156 = tpu.memref_slice %arg4[%dma_wait3A_153, %dma_wait3A_154, %dma_wait3A_155] : memref<2x32x1920xf32, #tpu.memory_space<vmem>> -> memref<1x32x1920xf32, #tpu.memory_space<vmem>>
    %dma_wait3A_157 = tpu.memref_squeeze %dma_wait3A_156 : memref<1x32x1920xf32, #tpu.memory_space<vmem>> -> memref<32x1920xf32, #tpu.memory_space<vmem>>
    %dma_wait3A_158 = arith.constant 0 : i32
    %dma_wait3A_159 = tpu.memref_slice %arg2[%dma_wait3A_158, %add3A_152] : memref<32x1000000xf32, #tpu.memory_space<hbm>> -> memref<32x1920xf32, #tpu.memory_space<hbm>>
    %dma_wait3A_160 = arith.constant 0 : i32
    %dma_wait3A_161 = arith.constant 0 : i32
    %dma_wait3A_162 = tpu.memref_slice %arg4[%dma_wait3A_153, %dma_wait3A_160, %dma_wait3A_161] : memref<2x32x1920xf32, #tpu.memory_space<vmem>> -> memref<1x32x1920xf32, #tpu.memory_space<vmem>>
    %dma_wait3A_163 = tpu.memref_squeeze %dma_wait3A_162 : memref<1x32x1920xf32, #tpu.memory_space<vmem>> -> memref<32x1920xf32, #tpu.memory_space<vmem>>
    %dma_wait3A_164 = arith.constant 0 : i32
    %dma_wait3A_165 = tpu.memref_slice %arg2[%dma_wait3A_164, %add3A_152] : memref<32x1000000xf32, #tpu.memory_space<hbm>> -> memref<32x1920xf32, #tpu.memory_space<hbm>>
    tpu.wait_dma2 semaphore(%arg6 : memref<!tpu.dma_semaphore, #tpu.memory_space<semaphore_mem>>) src(%dma_wait3A_165 : memref<32x1920xf32, #tpu.memory_space<hbm>>) dst(%dma_wait3A_163 : memref<32x1920xf32, #tpu.memory_space<vmem>>)
    %add3A_166 = arith.constant 3840 : i32
    %add3A_167 = arith.addi %multiple_of3A, %add3A_166 : i32
    %dma_start3A_168 = arith.constant 0 : i32
    %dma_start3A_169 = arith.constant 0 : i32
    %dma_start3A_170 = arith.constant 0 : i32
    %dma_start3A_171 = tpu.memref_slice %arg4[%dma_start3A_168, %dma_start3A_169, %dma_start3A_170] : memref<2x32x1920xf32, #tpu.memory_space<vmem>> -> memref<1x32x1920xf32, #tpu.memory_space<vmem>>
    %dma_start3A_172 = tpu.memref_squeeze %dma_start3A_171 : memref<1x32x1920xf32, #tpu.memory_space<vmem>> -> memref<32x1920xf32, #tpu.memory_space<vmem>>
    %dma_start3A_173 = arith.constant 0 : i32
    %dma_start3A_174 = tpu.memref_slice %arg3[%dma_start3A_173, %add3A_167] : memref<32x1000000xf32, #tpu.memory_space<hbm>> -> memref<32x1920xf32, #tpu.memory_space<hbm>>
    %dma_start3A_175 = arith.constant 0 : i32
    %dma_start3A_176 = tpu.memref_slice %arg3[%dma_start3A_175, %add3A_167] : memref<32x1000000xf32, #tpu.memory_space<hbm>> -> memref<32x1920xf32, #tpu.memory_space<hbm>>
    %dma_start3A_177 = arith.constant 0 : i32
    %dma_start3A_178 = arith.constant 0 : i32
    %dma_start3A_179 = tpu.memref_slice %arg4[%dma_start3A_168, %dma_start3A_177, %dma_start3A_178] : memref<2x32x1920xf32, #tpu.memory_space<vmem>> -> memref<1x32x1920xf32, #tpu.memory_space<vmem>>
    %dma_start3A_180 = tpu.memref_squeeze %dma_start3A_179 : memref<1x32x1920xf32, #tpu.memory_space<vmem>> -> memref<32x1920xf32, #tpu.memory_space<vmem>>
    tpu.enqueue_dma source(%dma_start3A_180 : memref<32x1920xf32, #tpu.memory_space<vmem>>) target(%dma_start3A_176 : memref<32x1920xf32, #tpu.memory_space<hbm>>) target_semaphore(%arg8 : memref<!tpu.dma_semaphore, #tpu.memory_space<semaphore_mem>>)
    %add3A_181 = arith.constant 3840 : i32
    %add3A_182 = arith.addi %multiple_of3A, %add3A_181 : i32
    %dma_wait3A_183 = arith.constant 0 : i32
    %dma_wait3A_184 = arith.constant 0 : i32
    %dma_wait3A_185 = arith.constant 0 : i32
    %dma_wait3A_186 = tpu.memref_slice %arg4[%dma_wait3A_183, %dma_wait3A_184, %dma_wait3A_185] : memref<2x32x1920xf32, #tpu.memory_space<vmem>> -> memref<1x32x1920xf32, #tpu.memory_space<vmem>>
    %dma_wait3A_187 = tpu.memref_squeeze %dma_wait3A_186 : memref<1x32x1920xf32, #tpu.memory_space<vmem>> -> memref<32x1920xf32, #tpu.memory_space<vmem>>
    %dma_wait3A_188 = arith.constant 0 : i32
    %dma_wait3A_189 = tpu.memref_slice %arg3[%dma_wait3A_188, %add3A_182] : memref<32x1000000xf32, #tpu.memory_space<hbm>> -> memref<32x1920xf32, #tpu.memory_space<hbm>>
    %dma_wait3A_190 = arith.constant 0 : i32
    %dma_wait3A_191 = tpu.memref_slice %arg3[%dma_wait3A_190, %add3A_182] : memref<32x1000000xf32, #tpu.memory_space<hbm>> -> memref<32x1920xf32, #tpu.memory_space<hbm>>
    %dma_wait3A_192 = arith.constant 0 : i32
    %dma_wait3A_193 = arith.constant 0 : i32
    %dma_wait3A_194 = tpu.memref_slice %arg4[%dma_wait3A_183, %dma_wait3A_192, %dma_wait3A_193] : memref<2x32x1920xf32, #tpu.memory_space<vmem>> -> memref<1x32x1920xf32, #tpu.memory_space<vmem>>
    %dma_wait3A_195 = tpu.memref_squeeze %dma_wait3A_194 : memref<1x32x1920xf32, #tpu.memory_space<vmem>> -> memref<32x1920xf32, #tpu.memory_space<vmem>>
    tpu.wait_dma2 semaphore(%arg8 : memref<!tpu.dma_semaphore, #tpu.memory_space<semaphore_mem>>) src(%dma_wait3A_195 : memref<32x1920xf32, #tpu.memory_space<vmem>>) dst(%dma_wait3A_191 : memref<32x1920xf32, #tpu.memory_space<hbm>>)
    %add3A_196 = arith.constant 7680 : i32
    %add3A_197 = arith.addi %multiple_of3A, %add3A_196 : i32
    %dma_start3A_198 = arith.constant 0 : i32
    %dma_start3A_199 = arith.constant 0 : i32
    %dma_start3A_200 = arith.constant 0 : i32
    %dma_start3A_201 = tpu.memref_slice %arg4[%dma_start3A_198, %dma_start3A_199, %dma_start3A_200] : memref<2x32x1920xf32, #tpu.memory_space<vmem>> -> memref<1x32x1920xf32, #tpu.memory_space<vmem>>
    %dma_start3A_202 = tpu.memref_squeeze %dma_start3A_201 : memref<1x32x1920xf32, #tpu.memory_space<vmem>> -> memref<32x1920xf32, #tpu.memory_space<vmem>>
    %dma_start3A_203 = arith.constant 0 : i32
    %dma_start3A_204 = tpu.memref_slice %arg2[%dma_start3A_203, %add3A_197] : memref<32x1000000xf32, #tpu.memory_space<hbm>> -> memref<32x1920xf32, #tpu.memory_space<hbm>>
    %dma_start3A_205 = arith.constant 0 : i32
    %dma_start3A_206 = arith.constant 0 : i32
    %dma_start3A_207 = tpu.memref_slice %arg4[%dma_start3A_198, %dma_start3A_205, %dma_start3A_206] : memref<2x32x1920xf32, #tpu.memory_space<vmem>> -> memref<1x32x1920xf32, #tpu.memory_space<vmem>>
    %dma_start3A_208 = tpu.memref_squeeze %dma_start3A_207 : memref<1x32x1920xf32, #tpu.memory_space<vmem>> -> memref<32x1920xf32, #tpu.memory_space<vmem>>
    %dma_start3A_209 = arith.constant 0 : i32
    %dma_start3A_210 = tpu.memref_slice %arg2[%dma_start3A_209, %add3A_197] : memref<32x1000000xf32, #tpu.memory_space<hbm>> -> memref<32x1920xf32, #tpu.memory_space<hbm>>
    tpu.enqueue_dma source(%dma_start3A_210 : memref<32x1920xf32, #tpu.memory_space<hbm>>) target(%dma_start3A_208 : memref<32x1920xf32, #tpu.memory_space<vmem>>) target_semaphore(%arg6 : memref<!tpu.dma_semaphore, #tpu.memory_space<semaphore_mem>>)
    %add3A_211 = arith.constant 5760 : i32
    %add3A_212 = arith.addi %multiple_of3A, %add3A_211 : i32
    %dma_wait3A_213 = arith.constant 1 : i32
    %dma_wait3A_214 = arith.constant 0 : i32
    %dma_wait3A_215 = arith.constant 0 : i32
    %dma_wait3A_216 = tpu.memref_slice %arg4[%dma_wait3A_213, %dma_wait3A_214, %dma_wait3A_215] : memref<2x32x1920xf32, #tpu.memory_space<vmem>> -> memref<1x32x1920xf32, #tpu.memory_space<vmem>>
    %dma_wait3A_217 = tpu.memref_squeeze %dma_wait3A_216 : memref<1x32x1920xf32, #tpu.memory_space<vmem>> -> memref<32x1920xf32, #tpu.memory_space<vmem>>
    %dma_wait3A_218 = arith.constant 0 : i32
    %dma_wait3A_219 = tpu.memref_slice %arg2[%dma_wait3A_218, %add3A_212] : memref<32x1000000xf32, #tpu.memory_space<hbm>> -> memref<32x1920xf32, #tpu.memory_space<hbm>>
    %dma_wait3A_220 = arith.constant 0 : i32
    %dma_wait3A_221 = arith.constant 0 : i32
    %dma_wait3A_222 = tpu.memref_slice %arg4[%dma_wait3A_213, %dma_wait3A_220, %dma_wait3A_221] : memref<2x32x1920xf32, #tpu.memory_space<vmem>> -> memref<1x32x1920xf32, #tpu.memory_space<vmem>>
    %dma_wait3A_223 = tpu.memref_squeeze %dma_wait3A_222 : memref<1x32x1920xf32, #tpu.memory_space<vmem>> -> memref<32x1920xf32, #tpu.memory_space<vmem>>
    %dma_wait3A_224 = arith.constant 0 : i32
    %dma_wait3A_225 = tpu.memref_slice %arg2[%dma_wait3A_224, %add3A_212] : memref<32x1000000xf32, #tpu.memory_space<hbm>> -> memref<32x1920xf32, #tpu.memory_space<hbm>>
    tpu.wait_dma2 semaphore(%arg7 : memref<!tpu.dma_semaphore, #tpu.memory_space<semaphore_mem>>) src(%dma_wait3A_225 : memref<32x1920xf32, #tpu.memory_space<hbm>>) dst(%dma_wait3A_223 : memref<32x1920xf32, #tpu.memory_space<vmem>>)
    %add3A_226 = arith.constant 5760 : i32
    %add3A_227 = arith.addi %multiple_of3A, %add3A_226 : i32
    %dma_start3A_228 = arith.constant 1 : i32
    %dma_start3A_229 = arith.constant 0 : i32
    %dma_start3A_230 = arith.constant 0 : i32
    %dma_start3A_231 = tpu.memref_slice %arg4[%dma_start3A_228, %dma_start3A_229, %dma_start3A_230] : memref<2x32x1920xf32, #tpu.memory_space<vmem>> -> memref<1x32x1920xf32, #tpu.memory_space<vmem>>
    %dma_start3A_232 = tpu.memref_squeeze %dma_start3A_231 : memref<1x32x1920xf32, #tpu.memory_space<vmem>> -> memref<32x1920xf32, #tpu.memory_space<vmem>>
    %dma_start3A_233 = arith.constant 0 : i32
    %dma_start3A_234 = tpu.memref_slice %arg3[%dma_start3A_233, %add3A_227] : memref<32x1000000xf32, #tpu.memory_space<hbm>> -> memref<32x1920xf32, #tpu.memory_space<hbm>>
    %dma_start3A_235 = arith.constant 0 : i32
    %dma_start3A_236 = tpu.memref_slice %arg3[%dma_start3A_235, %add3A_227] : memref<32x1000000xf32, #tpu.memory_space<hbm>> -> memref<32x1920xf32, #tpu.memory_space<hbm>>
    %dma_start3A_237 = arith.constant 0 : i32
    %dma_start3A_238 = arith.constant 0 : i32
    %dma_start3A_239 = tpu.memref_slice %arg4[%dma_start3A_228, %dma_start3A_237, %dma_start3A_238] : memref<2x32x1920xf32, #tpu.memory_space<vmem>> -> memref<1x32x1920xf32, #tpu.memory_space<vmem>>
    %dma_start3A_240 = tpu.memref_squeeze %dma_start3A_239 : memref<1x32x1920xf32, #tpu.memory_space<vmem>> -> memref<32x1920xf32, #tpu.memory_space<vmem>>
    tpu.enqueue_dma source(%dma_start3A_240 : memref<32x1920xf32, #tpu.memory_space<vmem>>) target(%dma_start3A_236 : memref<32x1920xf32, #tpu.memory_space<hbm>>) target_semaphore(%arg9 : memref<!tpu.dma_semaphore, #tpu.memory_space<semaphore_mem>>)
    %add3A_241 = arith.constant 5760 : i32
    %add3A_242 = arith.addi %multiple_of3A, %add3A_241 : i32
    %dma_wait3A_243 = arith.constant 1 : i32
    %dma_wait3A_244 = arith.constant 0 : i32
    %dma_wait3A_245 = arith.constant 0 : i32
    %dma_wait3A_246 = tpu.memref_slice %arg4[%dma_wait3A_243, %dma_wait3A_244, %dma_wait3A_245] : memref<2x32x1920xf32, #tpu.memory_space<vmem>> -> memref<1x32x1920xf32, #tpu.memory_space<vmem>>
    %dma_wait3A_247 = tpu.memref_squeeze %dma_wait3A_246 : memref<1x32x1920xf32, #tpu.memory_space<vmem>> -> memref<32x1920xf32, #tpu.memory_space<vmem>>
    %dma_wait3A_248 = arith.constant 0 : i32
    %dma_wait3A_249 = tpu.memref_slice %arg3[%dma_wait3A_248, %add3A_242] : memref<32x1000000xf32, #tpu.memory_space<hbm>> -> memref<32x1920xf32, #tpu.memory_space<hbm>>
    %dma_wait3A_250 = arith.constant 0 : i32
    %dma_wait3A_251 = tpu.memref_slice %arg3[%dma_wait3A_250, %add3A_242] : memref<32x1000000xf32, #tpu.memory_space<hbm>> -> memref<32x1920xf32, #tpu.memory_space<hbm>>
    %dma_wait3A_252 = arith.constant 0 : i32
    %dma_wait3A_253 = arith.constant 0 : i32
    %dma_wait3A_254 = tpu.memref_slice %arg4[%dma_wait3A_243, %dma_wait3A_252, %dma_wait3A_253] : memref<2x32x1920xf32, #tpu.memory_space<vmem>> -> memref<1x32x1920xf32, #tpu.memory_space<vmem>>
    %dma_wait3A_255 = tpu.memref_squeeze %dma_wait3A_254 : memref<1x32x1920xf32, #tpu.memory_space<vmem>> -> memref<32x1920xf32, #tpu.memory_space<vmem>>
    tpu.wait_dma2 semaphore(%arg9 : memref<!tpu.dma_semaphore, #tpu.memory_space<semaphore_mem>>) src(%dma_wait3A_255 : memref<32x1920xf32, #tpu.memory_space<vmem>>) dst(%dma_wait3A_251 : memref<32x1920xf32, #tpu.memory_space<hbm>>)
    %add3A_256 = arith.constant 9600 : i32
    %add3A_257 = arith.addi %multiple_of3A, %add3A_256 : i32
    %dma_start3A_258 = arith.constant 1 : i32
    %dma_start3A_259 = arith.constant 0 : i32
    %dma_start3A_260 = arith.constant 0 : i32
    %dma_start3A_261 = tpu.memref_slice %arg4[%dma_start3A_258, %dma_start3A_259, %dma_start3A_260] : memref<2x32x1920xf32, #tpu.memory_space<vmem>> -> memref<1x32x1920xf32, #tpu.memory_space<vmem>>
    %dma_start3A_262 = tpu.memref_squeeze %dma_start3A_261 : memref<1x32x1920xf32, #tpu.memory_space<vmem>> -> memref<32x1920xf32, #tpu.memory_space<vmem>>
    %dma_start3A_263 = arith.constant 0 : i32
    %dma_start3A_264 = tpu.memref_slice %arg2[%dma_start3A_263, %add3A_257] : memref<32x1000000xf32, #tpu.memory_space<hbm>> -> memref<32x1920xf32, #tpu.memory_space<hbm>>
    %dma_start3A_265 = arith.constant 0 : i32
    %dma_start3A_266 = arith.constant 0 : i32
    %dma_start3A_267 = tpu.memref_slice %arg4[%dma_start3A_258, %dma_start3A_265, %dma_start3A_266] : memref<2x32x1920xf32, #tpu.memory_space<vmem>> -> memref<1x32x1920xf32, #tpu.memory_space<vmem>>
    %dma_start3A_268 = tpu.memref_squeeze %dma_start3A_267 : memref<1x32x1920xf32, #tpu.memory_space<vmem>> -> memref<32x1920xf32, #tpu.memory_space<vmem>>
    %dma_start3A_269 = arith.constant 0 : i32
    %dma_start3A_270 = tpu.memref_slice %arg2[%dma_start3A_269, %add3A_257] : memref<32x1000000xf32, #tpu.memory_space<hbm>> -> memref<32x1920xf32, #tpu.memory_space<hbm>>
    tpu.enqueue_dma source(%dma_start3A_270 : memref<32x1920xf32, #tpu.memory_space<hbm>>) target(%dma_start3A_268 : memref<32x1920xf32, #tpu.memory_space<vmem>>) target_semaphore(%arg7 : memref<!tpu.dma_semaphore, #tpu.memory_space<semaphore_mem>>)
    %add3A_271 = arith.constant 7680 : i32
    %add3A_272 = arith.addi %multiple_of3A, %add3A_271 : i32
    %dma_wait3A_273 = arith.constant 0 : i32
    %dma_wait3A_274 = arith.constant 0 : i32
    %dma_wait3A_275 = arith.constant 0 : i32
    %dma_wait3A_276 = tpu.memref_slice %arg4[%dma_wait3A_273, %dma_wait3A_274, %dma_wait3A_275] : memref<2x32x1920xf32, #tpu.memory_space<vmem>> -> memref<1x32x1920xf32, #tpu.memory_space<vmem>>
    %dma_wait3A_277 = tpu.memref_squeeze %dma_wait3A_276 : memref<1x32x1920xf32, #tpu.memory_space<vmem>> -> memref<32x1920xf32, #tpu.memory_space<vmem>>
    %dma_wait3A_278 = arith.constant 0 : i32
    %dma_wait3A_279 = tpu.memref_slice %arg2[%dma_wait3A_278, %add3A_272] : memref<32x1000000xf32, #tpu.memory_space<hbm>> -> memref<32x1920xf32, #tpu.memory_space<hbm>>
    %dma_wait3A_280 = arith.constant 0 : i32
    %dma_wait3A_281 = arith.constant 0 : i32
    %dma_wait3A_282 = tpu.memref_slice %arg4[%dma_wait3A_273, %dma_wait3A_280, %dma_wait3A_281] : memref<2x32x1920xf32, #tpu.memory_space<vmem>> -> memref<1x32x1920xf32, #tpu.memory_space<vmem>>
    %dma_wait3A_283 = tpu.memref_squeeze %dma_wait3A_282 : memref<1x32x1920xf32, #tpu.memory_space<vmem>> -> memref<32x1920xf32, #tpu.memory_space<vmem>>
    %dma_wait3A_284 = arith.constant 0 : i32
    %dma_wait3A_285 = tpu.memref_slice %arg2[%dma_wait3A_284, %add3A_272] : memref<32x1000000xf32, #tpu.memory_space<hbm>> -> memref<32x1920xf32, #tpu.memory_space<hbm>>
    tpu.wait_dma2 semaphore(%arg6 : memref<!tpu.dma_semaphore, #tpu.memory_space<semaphore_mem>>) src(%dma_wait3A_285 : memref<32x1920xf32, #tpu.memory_space<hbm>>) dst(%dma_wait3A_283 : memref<32x1920xf32, #tpu.memory_space<vmem>>)
    %add3A_286 = arith.constant 7680 : i32
    %add3A_287 = arith.addi %multiple_of3A, %add3A_286 : i32
    %dma_start3A_288 = arith.constant 0 : i32
    %dma_start3A_289 = arith.constant 0 : i32
    %dma_start3A_290 = arith.constant 0 : i32
    %dma_start3A_291 = tpu.memref_slice %arg4[%dma_start3A_288, %dma_start3A_289, %dma_start3A_290] : memref<2x32x1920xf32, #tpu.memory_space<vmem>> -> memref<1x32x1920xf32, #tpu.memory_space<vmem>>
    %dma_start3A_292 = tpu.memref_squeeze %dma_start3A_291 : memref<1x32x1920xf32, #tpu.memory_space<vmem>> -> memref<32x1920xf32, #tpu.memory_space<vmem>>
    %dma_start3A_293 = arith.constant 0 : i32
    %dma_start3A_294 = tpu.memref_slice %arg3[%dma_start3A_293, %add3A_287] : memref<32x1000000xf32, #tpu.memory_space<hbm>> -> memref<32x1920xf32, #tpu.memory_space<hbm>>
    %dma_start3A_295 = arith.constant 0 : i32
    %dma_start3A_296 = tpu.memref_slice %arg3[%dma_start3A_295, %add3A_287] : memref<32x1000000xf32, #tpu.memory_space<hbm>> -> memref<32x1920xf32, #tpu.memory_space<hbm>>
    %dma_start3A_297 = arith.constant 0 : i32
    %dma_start3A_298 = arith.constant 0 : i32
    %dma_start3A_299 = tpu.memref_slice %arg4[%dma_start3A_288, %dma_start3A_297, %dma_start3A_298] : memref<2x32x1920xf32, #tpu.memory_space<vmem>> -> memref<1x32x1920xf32, #tpu.memory_space<vmem>>
    %dma_start3A_300 = tpu.memref_squeeze %dma_start3A_299 : memref<1x32x1920xf32, #tpu.memory_space<vmem>> -> memref<32x1920xf32, #tpu.memory_space<vmem>>
    tpu.enqueue_dma source(%dma_start3A_300 : memref<32x1920xf32, #tpu.memory_space<vmem>>) target(%dma_start3A_296 : memref<32x1920xf32, #tpu.memory_space<hbm>>) target_semaphore(%arg8 : memref<!tpu.dma_semaphore, #tpu.memory_space<semaphore_mem>>)
    %add3A_301 = arith.constant 7680 : i32
    %add3A_302 = arith.addi %multiple_of3A, %add3A_301 : i32
    %dma_wait3A_303 = arith.constant 0 : i32
    %dma_wait3A_304 = arith.constant 0 : i32
    %dma_wait3A_305 = arith.constant 0 : i32
    %dma_wait3A_306 = tpu.memref_slice %arg4[%dma_wait3A_303, %dma_wait3A_304, %dma_wait3A_305] : memref<2x32x1920xf32, #tpu.memory_space<vmem>> -> memref<1x32x1920xf32, #tpu.memory_space<vmem>>
    %dma_wait3A_307 = tpu.memref_squeeze %dma_wait3A_306 : memref<1x32x1920xf32, #tpu.memory_space<vmem>> -> memref<32x1920xf32, #tpu.memory_space<vmem>>
    %dma_wait3A_308 = arith.constant 0 : i32
    %dma_wait3A_309 = tpu.memref_slice %arg3[%dma_wait3A_308, %add3A_302] : memref<32x1000000xf32, #tpu.memory_space<hbm>> -> memref<32x1920xf32, #tpu.memory_space<hbm>>
    %dma_wait3A_310 = arith.constant 0 : i32
    %dma_wait3A_311 = tpu.memref_slice %arg3[%dma_wait3A_310, %add3A_302] : memref<32x1000000xf32, #tpu.memory_space<hbm>> -> memref<32x1920xf32, #tpu.memory_space<hbm>>
    %dma_wait3A_312 = arith.constant 0 : i32
    %dma_wait3A_313 = arith.constant 0 : i32
    %dma_wait3A_314 = tpu.memref_slice %arg4[%dma_wait3A_303, %dma_wait3A_312, %dma_wait3A_313] : memref<2x32x1920xf32, #tpu.memory_space<vmem>> -> memref<1x32x1920xf32, #tpu.memory_space<vmem>>
    %dma_wait3A_315 = tpu.memref_squeeze %dma_wait3A_314 : memref<1x32x1920xf32, #tpu.memory_space<vmem>> -> memref<32x1920xf32, #tpu.memory_space<vmem>>
    tpu.wait_dma2 semaphore(%arg8 : memref<!tpu.dma_semaphore, #tpu.memory_space<semaphore_mem>>) src(%dma_wait3A_315 : memref<32x1920xf32, #tpu.memory_space<vmem>>) dst(%dma_wait3A_311 : memref<32x1920xf32, #tpu.memory_space<hbm>>)
    %add3A_316 = arith.constant 11520 : i32
    %add3A_317 = arith.addi %multiple_of3A, %add3A_316 : i32
    %dma_start3A_318 = arith.constant 0 : i32
    %dma_start3A_319 = arith.constant 0 : i32
    %dma_start3A_320 = arith.constant 0 : i32
    %dma_start3A_321 = tpu.memref_slice %arg4[%dma_start3A_318, %dma_start3A_319, %dma_start3A_320] : memref<2x32x1920xf32, #tpu.memory_space<vmem>> -> memref<1x32x1920xf32, #tpu.memory_space<vmem>>
    %dma_start3A_322 = tpu.memref_squeeze %dma_start3A_321 : memref<1x32x1920xf32, #tpu.memory_space<vmem>> -> memref<32x1920xf32, #tpu.memory_space<vmem>>
    %dma_start3A_323 = arith.constant 0 : i32
    %dma_start3A_324 = tpu.memref_slice %arg2[%dma_start3A_323, %add3A_317] : memref<32x1000000xf32, #tpu.memory_space<hbm>> -> memref<32x1920xf32, #tpu.memory_space<hbm>>
    %dma_start3A_325 = arith.constant 0 : i32
    %dma_start3A_326 = arith.constant 0 : i32
    %dma_start3A_327 = tpu.memref_slice %arg4[%dma_start3A_318, %dma_start3A_325, %dma_start3A_326] : memref<2x32x1920xf32, #tpu.memory_space<vmem>> -> memref<1x32x1920xf32, #tpu.memory_space<vmem>>
    %dma_start3A_328 = tpu.memref_squeeze %dma_start3A_327 : memref<1x32x1920xf32, #tpu.memory_space<vmem>> -> memref<32x1920xf32, #tpu.memory_space<vmem>>
    %dma_start3A_329 = arith.constant 0 : i32
    %dma_start3A_330 = tpu.memref_slice %arg2[%dma_start3A_329, %add3A_317] : memref<32x1000000xf32, #tpu.memory_space<hbm>> -> memref<32x1920xf32, #tpu.memory_space<hbm>>
    tpu.enqueue_dma source(%dma_start3A_330 : memref<32x1920xf32, #tpu.memory_space<hbm>>) target(%dma_start3A_328 : memref<32x1920xf32, #tpu.memory_space<vmem>>) target_semaphore(%arg6 : memref<!tpu.dma_semaphore, #tpu.memory_space<semaphore_mem>>)
    %add3A_331 = arith.constant 9600 : i32
    %add3A_332 = arith.addi %multiple_of3A, %add3A_331 : i32
    %dma_wait3A_333 = arith.constant 1 : i32
    %dma_wait3A_334 = arith.constant 0 : i32
    %dma_wait3A_335 = arith.constant 0 : i32
    %dma_wait3A_336 = tpu.memref_slice %arg4[%dma_wait3A_333, %dma_wait3A_334, %dma_wait3A_335] : memref<2x32x1920xf32, #tpu.memory_space<vmem>> -> memref<1x32x1920xf32, #tpu.memory_space<vmem>>
    %dma_wait3A_337 = tpu.memref_squeeze %dma_wait3A_336 : memref<1x32x1920xf32, #tpu.memory_space<vmem>> -> memref<32x1920xf32, #tpu.memory_space<vmem>>
    %dma_wait3A_338 = arith.constant 0 : i32
    %dma_wait3A_339 = tpu.memref_slice %arg2[%dma_wait3A_338, %add3A_332] : memref<32x1000000xf32, #tpu.memory_space<hbm>> -> memref<32x1920xf32, #tpu.memory_space<hbm>>
    %dma_wait3A_340 = arith.constant 0 : i32
    %dma_wait3A_341 = arith.constant 0 : i32
    %dma_wait3A_342 = tpu.memref_slice %arg4[%dma_wait3A_333, %dma_wait3A_340, %dma_wait3A_341] : memref<2x32x1920xf32, #tpu.memory_space<vmem>> -> memref<1x32x1920xf32, #tpu.memory_space<vmem>>
    %dma_wait3A_343 = tpu.memref_squeeze %dma_wait3A_342 : memref<1x32x1920xf32, #tpu.memory_space<vmem>> -> memref<32x1920xf32, #tpu.memory_space<vmem>>
    %dma_wait3A_344 = arith.constant 0 : i32
    %dma_wait3A_345 = tpu.memref_slice %arg2[%dma_wait3A_344, %add3A_332] : memref<32x1000000xf32, #tpu.memory_space<hbm>> -> memref<32x1920xf32, #tpu.memory_space<hbm>>
    tpu.wait_dma2 semaphore(%arg7 : memref<!tpu.dma_semaphore, #tpu.memory_space<semaphore_mem>>) src(%dma_wait3A_345 : memref<32x1920xf32, #tpu.memory_space<hbm>>) dst(%dma_wait3A_343 : memref<32x1920xf32, #tpu.memory_space<vmem>>)
    %add3A_346 = arith.constant 9600 : i32
    %add3A_347 = arith.addi %multiple_of3A, %add3A_346 : i32
    %dma_start3A_348 = arith.constant 1 : i32
    %dma_start3A_349 = arith.constant 0 : i32
    %dma_start3A_350 = arith.constant 0 : i32
    %dma_start3A_351 = tpu.memref_slice %arg4[%dma_start3A_348, %dma_start3A_349, %dma_start3A_350] : memref<2x32x1920xf32, #tpu.memory_space<vmem>> -> memref<1x32x1920xf32, #tpu.memory_space<vmem>>
    %dma_start3A_352 = tpu.memref_squeeze %dma_start3A_351 : memref<1x32x1920xf32, #tpu.memory_space<vmem>> -> memref<32x1920xf32, #tpu.memory_space<vmem>>
    %dma_start3A_353 = arith.constant 0 : i32
    %dma_start3A_354 = tpu.memref_slice %arg3[%dma_start3A_353, %add3A_347] : memref<32x1000000xf32, #tpu.memory_space<hbm>> -> memref<32x1920xf32, #tpu.memory_space<hbm>>
    %dma_start3A_355 = arith.constant 0 : i32
    %dma_start3A_356 = tpu.memref_slice %arg3[%dma_start3A_355, %add3A_347] : memref<32x1000000xf32, #tpu.memory_space<hbm>> -> memref<32x1920xf32, #tpu.memory_space<hbm>>
    %dma_start3A_357 = arith.constant 0 : i32
    %dma_start3A_358 = arith.constant 0 : i32
    %dma_start3A_359 = tpu.memref_slice %arg4[%dma_start3A_348, %dma_start3A_357, %dma_start3A_358] : memref<2x32x1920xf32, #tpu.memory_space<vmem>> -> memref<1x32x1920xf32, #tpu.memory_space<vmem>>
    %dma_start3A_360 = tpu.memref_squeeze %dma_start3A_359 : memref<1x32x1920xf32, #tpu.memory_space<vmem>> -> memref<32x1920xf32, #tpu.memory_space<vmem>>
    tpu.enqueue_dma source(%dma_start3A_360 : memref<32x1920xf32, #tpu.memory_space<vmem>>) target(%dma_start3A_356 : memref<32x1920xf32, #tpu.memory_space<hbm>>) target_semaphore(%arg9 : memref<!tpu.dma_semaphore, #tpu.memory_space<semaphore_mem>>)
    %add3A_361 = arith.constant 9600 : i32
    %add3A_362 = arith.addi %multiple_of3A, %add3A_361 : i32
    %dma_wait3A_363 = arith.constant 1 : i32
    %dma_wait3A_364 = arith.constant 0 : i32
    %dma_wait3A_365 = arith.constant 0 : i32
    %dma_wait3A_366 = tpu.memref_slice %arg4[%dma_wait3A_363, %dma_wait3A_364, %dma_wait3A_365] : memref<2x32x1920xf32, #tpu.memory_space<vmem>> -> memref<1x32x1920xf32, #tpu.memory_space<vmem>>
    %dma_wait3A_367 = tpu.memref_squeeze %dma_wait3A_366 : memref<1x32x1920xf32, #tpu.memory_space<vmem>> -> memref<32x1920xf32, #tpu.memory_space<vmem>>
    %dma_wait3A_368 = arith.constant 0 : i32
    %dma_wait3A_369 = tpu.memref_slice %arg3[%dma_wait3A_368, %add3A_362] : memref<32x1000000xf32, #tpu.memory_space<hbm>> -> memref<32x1920xf32, #tpu.memory_space<hbm>>
    %dma_wait3A_370 = arith.constant 0 : i32
    %dma_wait3A_371 = tpu.memref_slice %arg3[%dma_wait3A_370, %add3A_362] : memref<32x1000000xf32, #tpu.memory_space<hbm>> -> memref<32x1920xf32, #tpu.memory_space<hbm>>
    %dma_wait3A_372 = arith.constant 0 : i32
    %dma_wait3A_373 = arith.constant 0 : i32
    %dma_wait3A_374 = tpu.memref_slice %arg4[%dma_wait3A_363, %dma_wait3A_372, %dma_wait3A_373] : memref<2x32x1920xf32, #tpu.memory_space<vmem>> -> memref<1x32x1920xf32, #tpu.memory_space<vmem>>
    %dma_wait3A_375 = tpu.memref_squeeze %dma_wait3A_374 : memref<1x32x1920xf32, #tpu.memory_space<vmem>> -> memref<32x1920xf32, #tpu.memory_space<vmem>>
    tpu.wait_dma2 semaphore(%arg9 : memref<!tpu.dma_semaphore, #tpu.memory_space<semaphore_mem>>) src(%dma_wait3A_375 : memref<32x1920xf32, #tpu.memory_space<vmem>>) dst(%dma_wait3A_371 : memref<32x1920xf32, #tpu.memory_space<hbm>>)
    %add3A_376 = arith.constant 13440 : i32
    %add3A_377 = arith.addi %multiple_of3A, %add3A_376 : i32
    %dma_start3A_378 = arith.constant 1 : i32
    %dma_start3A_379 = arith.constant 0 : i32
    %dma_start3A_380 = arith.constant 0 : i32
    %dma_start3A_381 = tpu.memref_slice %arg4[%dma_start3A_378, %dma_start3A_379, %dma_start3A_380] : memref<2x32x1920xf32, #tpu.memory_space<vmem>> -> memref<1x32x1920xf32, #tpu.memory_space<vmem>>
    %dma_start3A_382 = tpu.memref_squeeze %dma_start3A_381 : memref<1x32x1920xf32, #tpu.memory_space<vmem>> -> memref<32x1920xf32, #tpu.memory_space<vmem>>
    %dma_start3A_383 = arith.constant 0 : i32
    %dma_start3A_384 = tpu.memref_slice %arg2[%dma_start3A_383, %add3A_377] : memref<32x1000000xf32, #tpu.memory_space<hbm>> -> memref<32x1920xf32, #tpu.memory_space<hbm>>
    %dma_start3A_385 = arith.constant 0 : i32
    %dma_start3A_386 = arith.constant 0 : i32
    %dma_start3A_387 = tpu.memref_slice %arg4[%dma_start3A_378, %dma_start3A_385, %dma_start3A_386] : memref<2x32x1920xf32, #tpu.memory_space<vmem>> -> memref<1x32x1920xf32, #tpu.memory_space<vmem>>
    %dma_start3A_388 = tpu.memref_squeeze %dma_start3A_387 : memref<1x32x1920xf32, #tpu.memory_space<vmem>> -> memref<32x1920xf32, #tpu.memory_space<vmem>>
    %dma_start3A_389 = arith.constant 0 : i32
    %dma_start3A_390 = tpu.memref_slice %arg2[%dma_start3A_389, %add3A_377] : memref<32x1000000xf32, #tpu.memory_space<hbm>> -> memref<32x1920xf32, #tpu.memory_space<hbm>>
    tpu.enqueue_dma source(%dma_start3A_390 : memref<32x1920xf32, #tpu.memory_space<hbm>>) target(%dma_start3A_388 : memref<32x1920xf32, #tpu.memory_space<vmem>>) target_semaphore(%arg7 : memref<!tpu.dma_semaphore, #tpu.memory_space<semaphore_mem>>)
    %add3A_391 = arith.constant 11520 : i32
    %add3A_392 = arith.addi %multiple_of3A, %add3A_391 : i32
    %dma_wait3A_393 = arith.constant 0 : i32
    %dma_wait3A_394 = arith.constant 0 : i32
    %dma_wait3A_395 = arith.constant 0 : i32
    %dma_wait3A_396 = tpu.memref_slice %arg4[%dma_wait3A_393, %dma_wait3A_394, %dma_wait3A_395] : memref<2x32x1920xf32, #tpu.memory_space<vmem>> -> memref<1x32x1920xf32, #tpu.memory_space<vmem>>
    %dma_wait3A_397 = tpu.memref_squeeze %dma_wait3A_396 : memref<1x32x1920xf32, #tpu.memory_space<vmem>> -> memref<32x1920xf32, #tpu.memory_space<vmem>>
    %dma_wait3A_398 = arith.constant 0 : i32
    %dma_wait3A_399 = tpu.memref_slice %arg2[%dma_wait3A_398, %add3A_392] : memref<32x1000000xf32, #tpu.memory_space<hbm>> -> memref<32x1920xf32, #tpu.memory_space<hbm>>
    %dma_wait3A_400 = arith.constant 0 : i32
    %dma_wait3A_401 = arith.constant 0 : i32
    %dma_wait3A_402 = tpu.memref_slice %arg4[%dma_wait3A_393, %dma_wait3A_400, %dma_wait3A_401] : memref<2x32x1920xf32, #tpu.memory_space<vmem>> -> memref<1x32x1920xf32, #tpu.memory_space<vmem>>
    %dma_wait3A_403 = tpu.memref_squeeze %dma_wait3A_402 : memref<1x32x1920xf32, #tpu.memory_space<vmem>> -> memref<32x1920xf32, #tpu.memory_space<vmem>>
    %dma_wait3A_404 = arith.constant 0 : i32
    %dma_wait3A_405 = tpu.memref_slice %arg2[%dma_wait3A_404, %add3A_392] : memref<32x1000000xf32, #tpu.memory_space<hbm>> -> memref<32x1920xf32, #tpu.memory_space<hbm>>
    tpu.wait_dma2 semaphore(%arg6 : memref<!tpu.dma_semaphore, #tpu.memory_space<semaphore_mem>>) src(%dma_wait3A_405 : memref<32x1920xf32, #tpu.memory_space<hbm>>) dst(%dma_wait3A_403 : memref<32x1920xf32, #tpu.memory_space<vmem>>)
    %add3A_406 = arith.constant 11520 : i32
    %add3A_407 = arith.addi %multiple_of3A, %add3A_406 : i32
    %dma_start3A_408 = arith.constant 0 : i32
    %dma_start3A_409 = arith.constant 0 : i32
    %dma_start3A_410 = arith.constant 0 : i32
    %dma_start3A_411 = tpu.memref_slice %arg4[%dma_start3A_408, %dma_start3A_409, %dma_start3A_410] : memref<2x32x1920xf32, #tpu.memory_space<vmem>> -> memref<1x32x1920xf32, #tpu.memory_space<vmem>>
    %dma_start3A_412 = tpu.memref_squeeze %dma_start3A_411 : memref<1x32x1920xf32, #tpu.memory_space<vmem>> -> memref<32x1920xf32, #tpu.memory_space<vmem>>
    %dma_start3A_413 = arith.constant 0 : i32
    %dma_start3A_414 = tpu.memref_slice %arg3[%dma_start3A_413, %add3A_407] : memref<32x1000000xf32, #tpu.memory_space<hbm>> -> memref<32x1920xf32, #tpu.memory_space<hbm>>
    %dma_start3A_415 = arith.constant 0 : i32
    %dma_start3A_416 = tpu.memref_slice %arg3[%dma_start3A_415, %add3A_407] : memref<32x1000000xf32, #tpu.memory_space<hbm>> -> memref<32x1920xf32, #tpu.memory_space<hbm>>
    %dma_start3A_417 = arith.constant 0 : i32
    %dma_start3A_418 = arith.constant 0 : i32
    %dma_start3A_419 = tpu.memref_slice %arg4[%dma_start3A_408, %dma_start3A_417, %dma_start3A_418] : memref<2x32x1920xf32, #tpu.memory_space<vmem>> -> memref<1x32x1920xf32, #tpu.memory_space<vmem>>
    %dma_start3A_420 = tpu.memref_squeeze %dma_start3A_419 : memref<1x32x1920xf32, #tpu.memory_space<vmem>> -> memref<32x1920xf32, #tpu.memory_space<vmem>>
    tpu.enqueue_dma source(%dma_start3A_420 : memref<32x1920xf32, #tpu.memory_space<vmem>>) target(%dma_start3A_416 : memref<32x1920xf32, #tpu.memory_space<hbm>>) target_semaphore(%arg8 : memref<!tpu.dma_semaphore, #tpu.memory_space<semaphore_mem>>)
    %add3A_421 = arith.constant 11520 : i32
    %add3A_422 = arith.addi %multiple_of3A, %add3A_421 : i32
    %dma_wait3A_423 = arith.constant 0 : i32
    %dma_wait3A_424 = arith.constant 0 : i32
    %dma_wait3A_425 = arith.constant 0 : i32
    %dma_wait3A_426 = tpu.memref_slice %arg4[%dma_wait3A_423, %dma_wait3A_424, %dma_wait3A_425] : memref<2x32x1920xf32, #tpu.memory_space<vmem>> -> memref<1x32x1920xf32, #tpu.memory_space<vmem>>
    %dma_wait3A_427 = tpu.memref_squeeze %dma_wait3A_426 : memref<1x32x1920xf32, #tpu.memory_space<vmem>> -> memref<32x1920xf32, #tpu.memory_space<vmem>>
    %dma_wait3A_428 = arith.constant 0 : i32
    %dma_wait3A_429 = tpu.memref_slice %arg3[%dma_wait3A_428, %add3A_422] : memref<32x1000000xf32, #tpu.memory_space<hbm>> -> memref<32x1920xf32, #tpu.memory_space<hbm>>
    %dma_wait3A_430 = arith.constant 0 : i32
    %dma_wait3A_431 = tpu.memref_slice %arg3[%dma_wait3A_430, %add3A_422] : memref<32x1000000xf32, #tpu.memory_space<hbm>> -> memref<32x1920xf32, #tpu.memory_space<hbm>>
    %dma_wait3A_432 = arith.constant 0 : i32
    %dma_wait3A_433 = arith.constant 0 : i32
    %dma_wait3A_434 = tpu.memref_slice %arg4[%dma_wait3A_423, %dma_wait3A_432, %dma_wait3A_433] : memref<2x32x1920xf32, #tpu.memory_space<vmem>> -> memref<1x32x1920xf32, #tpu.memory_space<vmem>>
    %dma_wait3A_435 = tpu.memref_squeeze %dma_wait3A_434 : memref<1x32x1920xf32, #tpu.memory_space<vmem>> -> memref<32x1920xf32, #tpu.memory_space<vmem>>
    tpu.wait_dma2 semaphore(%arg8 : memref<!tpu.dma_semaphore, #tpu.memory_space<semaphore_mem>>) src(%dma_wait3A_435 : memref<32x1920xf32, #tpu.memory_space<vmem>>) dst(%dma_wait3A_431 : memref<32x1920xf32, #tpu.memory_space<hbm>>)
    %add3A_436 = arith.constant 15360 : i32
    %add3A_437 = arith.addi %multiple_of3A, %add3A_436 : i32
    %dma_start3A_438 = arith.constant 0 : i32
    %dma_start3A_439 = arith.constant 0 : i32
    %dma_start3A_440 = arith.constant 0 : i32
    %dma_start3A_441 = tpu.memref_slice %arg4[%dma_start3A_438, %dma_start3A_439, %dma_start3A_440] : memref<2x32x1920xf32, #tpu.memory_space<vmem>> -> memref<1x32x1920xf32, #tpu.memory_space<vmem>>
    %dma_start3A_442 = tpu.memref_squeeze %dma_start3A_441 : memref<1x32x1920xf32, #tpu.memory_space<vmem>> -> memref<32x1920xf32, #tpu.memory_space<vmem>>
    %dma_start3A_443 = arith.constant 0 : i32
    %dma_start3A_444 = tpu.memref_slice %arg2[%dma_start3A_443, %add3A_437] : memref<32x1000000xf32, #tpu.memory_space<hbm>> -> memref<32x1920xf32, #tpu.memory_space<hbm>>
    %dma_start3A_445 = arith.constant 0 : i32
    %dma_start3A_446 = arith.constant 0 : i32
    %dma_start3A_447 = tpu.memref_slice %arg4[%dma_start3A_438, %dma_start3A_445, %dma_start3A_446] : memref<2x32x1920xf32, #tpu.memory_space<vmem>> -> memref<1x32x1920xf32, #tpu.memory_space<vmem>>
    %dma_start3A_448 = tpu.memref_squeeze %dma_start3A_447 : memref<1x32x1920xf32, #tpu.memory_space<vmem>> -> memref<32x1920xf32, #tpu.memory_space<vmem>>
    %dma_start3A_449 = arith.constant 0 : i32
    %dma_start3A_450 = tpu.memref_slice %arg2[%dma_start3A_449, %add3A_437] : memref<32x1000000xf32, #tpu.memory_space<hbm>> -> memref<32x1920xf32, #tpu.memory_space<hbm>>
    tpu.enqueue_dma source(%dma_start3A_450 : memref<32x1920xf32, #tpu.memory_space<hbm>>) target(%dma_start3A_448 : memref<32x1920xf32, #tpu.memory_space<vmem>>) target_semaphore(%arg6 : memref<!tpu.dma_semaphore, #tpu.memory_space<semaphore_mem>>)
    %add3A_451 = arith.constant 13440 : i32
    %add3A_452 = arith.addi %multiple_of3A, %add3A_451 : i32
    %dma_wait3A_453 = arith.constant 1 : i32
    %dma_wait3A_454 = arith.constant 0 : i32
    %dma_wait3A_455 = arith.constant 0 : i32
    %dma_wait3A_456 = tpu.memref_slice %arg4[%dma_wait3A_453, %dma_wait3A_454, %dma_wait3A_455] : memref<2x32x1920xf32, #tpu.memory_space<vmem>> -> memref<1x32x1920xf32, #tpu.memory_space<vmem>>
    %dma_wait3A_457 = tpu.memref_squeeze %dma_wait3A_456 : memref<1x32x1920xf32, #tpu.memory_space<vmem>> -> memref<32x1920xf32, #tpu.memory_space<vmem>>
    %dma_wait3A_458 = arith.constant 0 : i32
    %dma_wait3A_459 = tpu.memref_slice %arg2[%dma_wait3A_458, %add3A_452] : memref<32x1000000xf32, #tpu.memory_space<hbm>> -> memref<32x1920xf32, #tpu.memory_space<hbm>>
    %dma_wait3A_460 = arith.constant 0 : i32
    %dma_wait3A_461 = arith.constant 0 : i32
    %dma_wait3A_462 = tpu.memref_slice %arg4[%dma_wait3A_453, %dma_wait3A_460, %dma_wait3A_461] : memref<2x32x1920xf32, #tpu.memory_space<vmem>> -> memref<1x32x1920xf32, #tpu.memory_space<vmem>>
    %dma_wait3A_463 = tpu.memref_squeeze %dma_wait3A_462 : memref<1x32x1920xf32, #tpu.memory_space<vmem>> -> memref<32x1920xf32, #tpu.memory_space<vmem>>
    %dma_wait3A_464 = arith.constant 0 : i32
    %dma_wait3A_465 = tpu.memref_slice %arg2[%dma_wait3A_464, %add3A_452] : memref<32x1000000xf32, #tpu.memory_space<hbm>> -> memref<32x1920xf32, #tpu.memory_space<hbm>>
    tpu.wait_dma2 semaphore(%arg7 : memref<!tpu.dma_semaphore, #tpu.memory_space<semaphore_mem>>) src(%dma_wait3A_465 : memref<32x1920xf32, #tpu.memory_space<hbm>>) dst(%dma_wait3A_463 : memref<32x1920xf32, #tpu.memory_space<vmem>>)
    %add3A_466 = arith.constant 13440 : i32
    %add3A_467 = arith.addi %multiple_of3A, %add3A_466 : i32
    %dma_start3A_468 = arith.constant 1 : i32
    %dma_start3A_469 = arith.constant 0 : i32
    %dma_start3A_470 = arith.constant 0 : i32
    %dma_start3A_471 = tpu.memref_slice %arg4[%dma_start3A_468, %dma_start3A_469, %dma_start3A_470] : memref<2x32x1920xf32, #tpu.memory_space<vmem>> -> memref<1x32x1920xf32, #tpu.memory_space<vmem>>
    %dma_start3A_472 = tpu.memref_squeeze %dma_start3A_471 : memref<1x32x1920xf32, #tpu.memory_space<vmem>> -> memref<32x1920xf32, #tpu.memory_space<vmem>>
    %dma_start3A_473 = arith.constant 0 : i32
    %dma_start3A_474 = tpu.memref_slice %arg3[%dma_start3A_473, %add3A_467] : memref<32x1000000xf32, #tpu.memory_space<hbm>> -> memref<32x1920xf32, #tpu.memory_space<hbm>>
    %dma_start3A_475 = arith.constant 0 : i32
    %dma_start3A_476 = tpu.memref_slice %arg3[%dma_start3A_475, %add3A_467] : memref<32x1000000xf32, #tpu.memory_space<hbm>> -> memref<32x1920xf32, #tpu.memory_space<hbm>>
    %dma_start3A_477 = arith.constant 0 : i32
    %dma_start3A_478 = arith.constant 0 : i32
    %dma_start3A_479 = tpu.memref_slice %arg4[%dma_start3A_468, %dma_start3A_477, %dma_start3A_478] : memref<2x32x1920xf32, #tpu.memory_space<vmem>> -> memref<1x32x1920xf32, #tpu.memory_space<vmem>>
    %dma_start3A_480 = tpu.memref_squeeze %dma_start3A_479 : memref<1x32x1920xf32, #tpu.memory_space<vmem>> -> memref<32x1920xf32, #tpu.memory_space<vmem>>
    tpu.enqueue_dma source(%dma_start3A_480 : memref<32x1920xf32, #tpu.memory_space<vmem>>) target(%dma_start3A_476 : memref<32x1920xf32, #tpu.memory_space<hbm>>) target_semaphore(%arg9 : memref<!tpu.dma_semaphore, #tpu.memory_space<semaphore_mem>>)
    %add3A_481 = arith.constant 13440 : i32
    %add3A_482 = arith.addi %multiple_of3A, %add3A_481 : i32
    %dma_wait3A_483 = arith.constant 1 : i32
    %dma_wait3A_484 = arith.constant 0 : i32
    %dma_wait3A_485 = arith.constant 0 : i32
    %dma_wait3A_486 = tpu.memref_slice %arg4[%dma_wait3A_483, %dma_wait3A_484, %dma_wait3A_485] : memref<2x32x1920xf32, #tpu.memory_space<vmem>> -> memref<1x32x1920xf32, #tpu.memory_space<vmem>>
    %dma_wait3A_487 = tpu.memref_squeeze %dma_wait3A_486 : memref<1x32x1920xf32, #tpu.memory_space<vmem>> -> memref<32x1920xf32, #tpu.memory_space<vmem>>
    %dma_wait3A_488 = arith.constant 0 : i32
    %dma_wait3A_489 = tpu.memref_slice %arg3[%dma_wait3A_488, %add3A_482] : memref<32x1000000xf32, #tpu.memory_space<hbm>> -> memref<32x1920xf32, #tpu.memory_space<hbm>>
    %dma_wait3A_490 = arith.constant 0 : i32
    %dma_wait3A_491 = tpu.memref_slice %arg3[%dma_wait3A_490, %add3A_482] : memref<32x1000000xf32, #tpu.memory_space<hbm>> -> memref<32x1920xf32, #tpu.memory_space<hbm>>
    %dma_wait3A_492 = arith.constant 0 : i32
    %dma_wait3A_493 = arith.constant 0 : i32
    %dma_wait3A_494 = tpu.memref_slice %arg4[%dma_wait3A_483, %dma_wait3A_492, %dma_wait3A_493] : memref<2x32x1920xf32, #tpu.memory_space<vmem>> -> memref<1x32x1920xf32, #tpu.memory_space<vmem>>
    %dma_wait3A_495 = tpu.memref_squeeze %dma_wait3A_494 : memref<1x32x1920xf32, #tpu.memory_space<vmem>> -> memref<32x1920xf32, #tpu.memory_space<vmem>>
    tpu.wait_dma2 semaphore(%arg9 : memref<!tpu.dma_semaphore, #tpu.memory_space<semaphore_mem>>) src(%dma_wait3A_495 : memref<32x1920xf32, #tpu.memory_space<vmem>>) dst(%dma_wait3A_491 : memref<32x1920xf32, #tpu.memory_space<hbm>>)
    %add3A_496 = arith.constant 17280 : i32
    %add3A_497 = arith.addi %multiple_of3A, %add3A_496 : i32
    %dma_start3A_498 = arith.constant 1 : i32
    %dma_start3A_499 = arith.constant 0 : i32
    %dma_start3A_500 = arith.constant 0 : i32
    %dma_start3A_501 = tpu.memref_slice %arg4[%dma_start3A_498, %dma_start3A_499, %dma_start3A_500] : memref<2x32x1920xf32, #tpu.memory_space<vmem>> -> memref<1x32x1920xf32, #tpu.memory_space<vmem>>
    %dma_start3A_502 = tpu.memref_squeeze %dma_start3A_501 : memref<1x32x1920xf32, #tpu.memory_space<vmem>> -> memref<32x1920xf32, #tpu.memory_space<vmem>>
    %dma_start3A_503 = arith.constant 0 : i32
    %dma_start3A_504 = tpu.memref_slice %arg2[%dma_start3A_503, %add3A_497] : memref<32x1000000xf32, #tpu.memory_space<hbm>> -> memref<32x1920xf32, #tpu.memory_space<hbm>>
    %dma_start3A_505 = arith.constant 0 : i32
    %dma_start3A_506 = arith.constant 0 : i32
    %dma_start3A_507 = tpu.memref_slice %arg4[%dma_start3A_498, %dma_start3A_505, %dma_start3A_506] : memref<2x32x1920xf32, #tpu.memory_space<vmem>> -> memref<1x32x1920xf32, #tpu.memory_space<vmem>>
    %dma_start3A_508 = tpu.memref_squeeze %dma_start3A_507 : memref<1x32x1920xf32, #tpu.memory_space<vmem>> -> memref<32x1920xf32, #tpu.memory_space<vmem>>
    %dma_start3A_509 = arith.constant 0 : i32
    %dma_start3A_510 = tpu.memref_slice %arg2[%dma_start3A_509, %add3A_497] : memref<32x1000000xf32, #tpu.memory_space<hbm>> -> memref<32x1920xf32, #tpu.memory_space<hbm>>
    tpu.enqueue_dma source(%dma_start3A_510 : memref<32x1920xf32, #tpu.memory_space<hbm>>) target(%dma_start3A_508 : memref<32x1920xf32, #tpu.memory_space<vmem>>) target_semaphore(%arg7 : memref<!tpu.dma_semaphore, #tpu.memory_space<semaphore_mem>>)
    %add3A_511 = arith.constant 15360 : i32
    %add3A_512 = arith.addi %multiple_of3A, %add3A_511 : i32
    %dma_wait3A_513 = arith.constant 0 : i32
    %dma_wait3A_514 = arith.constant 0 : i32
    %dma_wait3A_515 = arith.constant 0 : i32
    %dma_wait3A_516 = tpu.memref_slice %arg4[%dma_wait3A_513, %dma_wait3A_514, %dma_wait3A_515] : memref<2x32x1920xf32, #tpu.memory_space<vmem>> -> memref<1x32x1920xf32, #tpu.memory_space<vmem>>
    %dma_wait3A_517 = tpu.memref_squeeze %dma_wait3A_516 : memref<1x32x1920xf32, #tpu.memory_space<vmem>> -> memref<32x1920xf32, #tpu.memory_space<vmem>>
    %dma_wait3A_518 = arith.constant 0 : i32
    %dma_wait3A_519 = tpu.memref_slice %arg2[%dma_wait3A_518, %add3A_512] : memref<32x1000000xf32, #tpu.memory_space<hbm>> -> memref<32x1920xf32, #tpu.memory_space<hbm>>
    %dma_wait3A_520 = arith.constant 0 : i32
    %dma_wait3A_521 = arith.constant 0 : i32
    %dma_wait3A_522 = tpu.memref_slice %arg4[%dma_wait3A_513, %dma_wait3A_520, %dma_wait3A_521] : memref<2x32x1920xf32, #tpu.memory_space<vmem>> -> memref<1x32x1920xf32, #tpu.memory_space<vmem>>
    %dma_wait3A_523 = tpu.memref_squeeze %dma_wait3A_522 : memref<1x32x1920xf32, #tpu.memory_space<vmem>> -> memref<32x1920xf32, #tpu.memory_space<vmem>>
    %dma_wait3A_524 = arith.constant 0 : i32
    %dma_wait3A_525 = tpu.memref_slice %arg2[%dma_wait3A_524, %add3A_512] : memref<32x1000000xf32, #tpu.memory_space<hbm>> -> memref<32x1920xf32, #tpu.memory_space<hbm>>
    tpu.wait_dma2 semaphore(%arg6 : memref<!tpu.dma_semaphore, #tpu.memory_space<semaphore_mem>>) src(%dma_wait3A_525 : memref<32x1920xf32, #tpu.memory_space<hbm>>) dst(%dma_wait3A_523 : memref<32x1920xf32, #tpu.memory_space<vmem>>)
    %add3A_526 = arith.constant 15360 : i32
    %add3A_527 = arith.addi %multiple_of3A, %add3A_526 : i32
    %dma_start3A_528 = arith.constant 0 : i32
    %dma_start3A_529 = arith.constant 0 : i32
    %dma_start3A_530 = arith.constant 0 : i32
    %dma_start3A_531 = tpu.memref_slice %arg4[%dma_start3A_528, %dma_start3A_529, %dma_start3A_530] : memref<2x32x1920xf32, #tpu.memory_space<vmem>> -> memref<1x32x1920xf32, #tpu.memory_space<vmem>>
    %dma_start3A_532 = tpu.memref_squeeze %dma_start3A_531 : memref<1x32x1920xf32, #tpu.memory_space<vmem>> -> memref<32x1920xf32, #tpu.memory_space<vmem>>
    %dma_start3A_533 = arith.constant 0 : i32
    %dma_start3A_534 = tpu.memref_slice %arg3[%dma_start3A_533, %add3A_527] : memref<32x1000000xf32, #tpu.memory_space<hbm>> -> memref<32x1920xf32, #tpu.memory_space<hbm>>
    %dma_start3A_535 = arith.constant 0 : i32
    %dma_start3A_536 = tpu.memref_slice %arg3[%dma_start3A_535, %add3A_527] : memref<32x1000000xf32, #tpu.memory_space<hbm>> -> memref<32x1920xf32, #tpu.memory_space<hbm>>
    %dma_start3A_537 = arith.constant 0 : i32
    %dma_start3A_538 = arith.constant 0 : i32
    %dma_start3A_539 = tpu.memref_slice %arg4[%dma_start3A_528, %dma_start3A_537, %dma_start3A_538] : memref<2x32x1920xf32, #tpu.memory_space<vmem>> -> memref<1x32x1920xf32, #tpu.memory_space<vmem>>
    %dma_start3A_540 = tpu.memref_squeeze %dma_start3A_539 : memref<1x32x1920xf32, #tpu.memory_space<vmem>> -> memref<32x1920xf32, #tpu.memory_space<vmem>>
    tpu.enqueue_dma source(%dma_start3A_540 : memref<32x1920xf32, #tpu.memory_space<vmem>>) target(%dma_start3A_536 : memref<32x1920xf32, #tpu.memory_space<hbm>>) target_semaphore(%arg8 : memref<!tpu.dma_semaphore, #tpu.memory_space<semaphore_mem>>)
    %add3A_541 = arith.constant 15360 : i32
    %add3A_542 = arith.addi %multiple_of3A, %add3A_541 : i32
    %dma_wait3A_543 = arith.constant 0 : i32
    %dma_wait3A_544 = arith.constant 0 : i32
    %dma_wait3A_545 = arith.constant 0 : i32
    %dma_wait3A_546 = tpu.memref_slice %arg4[%dma_wait3A_543, %dma_wait3A_544, %dma_wait3A_545] : memref<2x32x1920xf32, #tpu.memory_space<vmem>> -> memref<1x32x1920xf32, #tpu.memory_space<vmem>>
    %dma_wait3A_547 = tpu.memref_squeeze %dma_wait3A_546 : memref<1x32x1920xf32, #tpu.memory_space<vmem>> -> memref<32x1920xf32, #tpu.memory_space<vmem>>
    %dma_wait3A_548 = arith.constant 0 : i32
    %dma_wait3A_549 = tpu.memref_slice %arg3[%dma_wait3A_548, %add3A_542] : memref<32x1000000xf32, #tpu.memory_space<hbm>> -> memref<32x1920xf32, #tpu.memory_space<hbm>>
    %dma_wait3A_550 = arith.constant 0 : i32
    %dma_wait3A_551 = tpu.memref_slice %arg3[%dma_wait3A_550, %add3A_542] : memref<32x1000000xf32, #tpu.memory_space<hbm>> -> memref<32x1920xf32, #tpu.memory_space<hbm>>
    %dma_wait3A_552 = arith.constant 0 : i32
    %dma_wait3A_553 = arith.constant 0 : i32
    %dma_wait3A_554 = tpu.memref_slice %arg4[%dma_wait3A_543, %dma_wait3A_552, %dma_wait3A_553] : memref<2x32x1920xf32, #tpu.memory_space<vmem>> -> memref<1x32x1920xf32, #tpu.memory_space<vmem>>
    %dma_wait3A_555 = tpu.memref_squeeze %dma_wait3A_554 : memref<1x32x1920xf32, #tpu.memory_space<vmem>> -> memref<32x1920xf32, #tpu.memory_space<vmem>>
    tpu.wait_dma2 semaphore(%arg8 : memref<!tpu.dma_semaphore, #tpu.memory_space<semaphore_mem>>) src(%dma_wait3A_555 : memref<32x1920xf32, #tpu.memory_space<vmem>>) dst(%dma_wait3A_551 : memref<32x1920xf32, #tpu.memory_space<hbm>>)
    %add3A_556 = arith.constant 19200 : i32
    %add3A_557 = arith.addi %multiple_of3A, %add3A_556 : i32
    %dma_start3A_558 = arith.constant 0 : i32
    %dma_start3A_559 = arith.constant 0 : i32
    %dma_start3A_560 = arith.constant 0 : i32
    %dma_start3A_561 = tpu.memref_slice %arg4[%dma_start3A_558, %dma_start3A_559, %dma_start3A_560] : memref<2x32x1920xf32, #tpu.memory_space<vmem>> -> memref<1x32x1920xf32, #tpu.memory_space<vmem>>
    %dma_start3A_562 = tpu.memref_squeeze %dma_start3A_561 : memref<1x32x1920xf32, #tpu.memory_space<vmem>> -> memref<32x1920xf32, #tpu.memory_space<vmem>>
    %dma_start3A_563 = arith.constant 0 : i32
    %dma_start3A_564 = tpu.memref_slice %arg2[%dma_start3A_563, %add3A_557] : memref<32x1000000xf32, #tpu.memory_space<hbm>> -> memref<32x1920xf32, #tpu.memory_space<hbm>>
    %dma_start3A_565 = arith.constant 0 : i32
    %dma_start3A_566 = arith.constant 0 : i32
    %dma_start3A_567 = tpu.memref_slice %arg4[%dma_start3A_558, %dma_start3A_565, %dma_start3A_566] : memref<2x32x1920xf32, #tpu.memory_space<vmem>> -> memref<1x32x1920xf32, #tpu.memory_space<vmem>>
    %dma_start3A_568 = tpu.memref_squeeze %dma_start3A_567 : memref<1x32x1920xf32, #tpu.memory_space<vmem>> -> memref<32x1920xf32, #tpu.memory_space<vmem>>
    %dma_start3A_569 = arith.constant 0 : i32
    %dma_start3A_570 = tpu.memref_slice %arg2[%dma_start3A_569, %add3A_557] : memref<32x1000000xf32, #tpu.memory_space<hbm>> -> memref<32x1920xf32, #tpu.memory_space<hbm>>
    tpu.enqueue_dma source(%dma_start3A_570 : memref<32x1920xf32, #tpu.memory_space<hbm>>) target(%dma_start3A_568 : memref<32x1920xf32, #tpu.memory_space<vmem>>) target_semaphore(%arg6 : memref<!tpu.dma_semaphore, #tpu.memory_space<semaphore_mem>>)
    %add3A_571 = arith.constant 17280 : i32
    %add3A_572 = arith.addi %multiple_of3A, %add3A_571 : i32
    %dma_wait3A_573 = arith.constant 1 : i32
    %dma_wait3A_574 = arith.constant 0 : i32
    %dma_wait3A_575 = arith.constant 0 : i32
    %dma_wait3A_576 = tpu.memref_slice %arg4[%dma_wait3A_573, %dma_wait3A_574, %dma_wait3A_575] : memref<2x32x1920xf32, #tpu.memory_space<vmem>> -> memref<1x32x1920xf32, #tpu.memory_space<vmem>>
    %dma_wait3A_577 = tpu.memref_squeeze %dma_wait3A_576 : memref<1x32x1920xf32, #tpu.memory_space<vmem>> -> memref<32x1920xf32, #tpu.memory_space<vmem>>
    %dma_wait3A_578 = arith.constant 0 : i32
    %dma_wait3A_579 = tpu.memref_slice %arg2[%dma_wait3A_578, %add3A_572] : memref<32x1000000xf32, #tpu.memory_space<hbm>> -> memref<32x1920xf32, #tpu.memory_space<hbm>>
    %dma_wait3A_580 = arith.constant 0 : i32
    %dma_wait3A_581 = arith.constant 0 : i32
    %dma_wait3A_582 = tpu.memref_slice %arg4[%dma_wait3A_573, %dma_wait3A_580, %dma_wait3A_581] : memref<2x32x1920xf32, #tpu.memory_space<vmem>> -> memref<1x32x1920xf32, #tpu.memory_space<vmem>>
    %dma_wait3A_583 = tpu.memref_squeeze %dma_wait3A_582 : memref<1x32x1920xf32, #tpu.memory_space<vmem>> -> memref<32x1920xf32, #tpu.memory_space<vmem>>
    %dma_wait3A_584 = arith.constant 0 : i32
    %dma_wait3A_585 = tpu.memref_slice %arg2[%dma_wait3A_584, %add3A_572] : memref<32x1000000xf32, #tpu.memory_space<hbm>> -> memref<32x1920xf32, #tpu.memory_space<hbm>>
    tpu.wait_dma2 semaphore(%arg7 : memref<!tpu.dma_semaphore, #tpu.memory_space<semaphore_mem>>) src(%dma_wait3A_585 : memref<32x1920xf32, #tpu.memory_space<hbm>>) dst(%dma_wait3A_583 : memref<32x1920xf32, #tpu.memory_space<vmem>>)
    %add3A_586 = arith.constant 17280 : i32
    %add3A_587 = arith.addi %multiple_of3A, %add3A_586 : i32
    %dma_start3A_588 = arith.constant 1 : i32
    %dma_start3A_589 = arith.constant 0 : i32
    %dma_start3A_590 = arith.constant 0 : i32
    %dma_start3A_591 = tpu.memref_slice %arg4[%dma_start3A_588, %dma_start3A_589, %dma_start3A_590] : memref<2x32x1920xf32, #tpu.memory_space<vmem>> -> memref<1x32x1920xf32, #tpu.memory_space<vmem>>
    %dma_start3A_592 = tpu.memref_squeeze %dma_start3A_591 : memref<1x32x1920xf32, #tpu.memory_space<vmem>> -> memref<32x1920xf32, #tpu.memory_space<vmem>>
    %dma_start3A_593 = arith.constant 0 : i32
    %dma_start3A_594 = tpu.memref_slice %arg3[%dma_start3A_593, %add3A_587] : memref<32x1000000xf32, #tpu.memory_space<hbm>> -> memref<32x1920xf32, #tpu.memory_space<hbm>>
    %dma_start3A_595 = arith.constant 0 : i32
    %dma_start3A_596 = tpu.memref_slice %arg3[%dma_start3A_595, %add3A_587] : memref<32x1000000xf32, #tpu.memory_space<hbm>> -> memref<32x1920xf32, #tpu.memory_space<hbm>>
    %dma_start3A_597 = arith.constant 0 : i32
    %dma_start3A_598 = arith.constant 0 : i32
    %dma_start3A_599 = tpu.memref_slice %arg4[%dma_start3A_588, %dma_start3A_597, %dma_start3A_598] : memref<2x32x1920xf32, #tpu.memory_space<vmem>> -> memref<1x32x1920xf32, #tpu.memory_space<vmem>>
    %dma_start3A_600 = tpu.memref_squeeze %dma_start3A_599 : memref<1x32x1920xf32, #tpu.memory_space<vmem>> -> memref<32x1920xf32, #tpu.memory_space<vmem>>
    tpu.enqueue_dma source(%dma_start3A_600 : memref<32x1920xf32, #tpu.memory_space<vmem>>) target(%dma_start3A_596 : memref<32x1920xf32, #tpu.memory_space<hbm>>) target_semaphore(%arg9 : memref<!tpu.dma_semaphore, #tpu.memory_space<semaphore_mem>>)
    %add3A_601 = arith.constant 17280 : i32
    %add3A_602 = arith.addi %multiple_of3A, %add3A_601 : i32
    %dma_wait3A_603 = arith.constant 1 : i32
    %dma_wait3A_604 = arith.constant 0 : i32
    %dma_wait3A_605 = arith.constant 0 : i32
    %dma_wait3A_606 = tpu.memref_slice %arg4[%dma_wait3A_603, %dma_wait3A_604, %dma_wait3A_605] : memref<2x32x1920xf32, #tpu.memory_space<vmem>> -> memref<1x32x1920xf32, #tpu.memory_space<vmem>>
    %dma_wait3A_607 = tpu.memref_squeeze %dma_wait3A_606 : memref<1x32x1920xf32, #tpu.memory_space<vmem>> -> memref<32x1920xf32, #tpu.memory_space<vmem>>
    %dma_wait3A_608 = arith.constant 0 : i32
    %dma_wait3A_609 = tpu.memref_slice %arg3[%dma_wait3A_608, %add3A_602] : memref<32x1000000xf32, #tpu.memory_space<hbm>> -> memref<32x1920xf32, #tpu.memory_space<hbm>>
    %dma_wait3A_610 = arith.constant 0 : i32
    %dma_wait3A_611 = tpu.memref_slice %arg3[%dma_wait3A_610, %add3A_602] : memref<32x1000000xf32, #tpu.memory_space<hbm>> -> memref<32x1920xf32, #tpu.memory_space<hbm>>
    %dma_wait3A_612 = arith.constant 0 : i32
    %dma_wait3A_613 = arith.constant 0 : i32
    %dma_wait3A_614 = tpu.memref_slice %arg4[%dma_wait3A_603, %dma_wait3A_612, %dma_wait3A_613] : memref<2x32x1920xf32, #tpu.memory_space<vmem>> -> memref<1x32x1920xf32, #tpu.memory_space<vmem>>
    %dma_wait3A_615 = tpu.memref_squeeze %dma_wait3A_614 : memref<1x32x1920xf32, #tpu.memory_space<vmem>> -> memref<32x1920xf32, #tpu.memory_space<vmem>>
    tpu.wait_dma2 semaphore(%arg9 : memref<!tpu.dma_semaphore, #tpu.memory_space<semaphore_mem>>) src(%dma_wait3A_615 : memref<32x1920xf32, #tpu.memory_space<vmem>>) dst(%dma_wait3A_611 : memref<32x1920xf32, #tpu.memory_space<hbm>>)
    %add3A_616 = arith.constant 21120 : i32
    %add3A_617 = arith.addi %multiple_of3A, %add3A_616 : i32
    %dma_start3A_618 = arith.constant 1 : i32
    %dma_start3A_619 = arith.constant 0 : i32
    %dma_start3A_620 = arith.constant 0 : i32
    %dma_start3A_621 = tpu.memref_slice %arg4[%dma_start3A_618, %dma_start3A_619, %dma_start3A_620] : memref<2x32x1920xf32, #tpu.memory_space<vmem>> -> memref<1x32x1920xf32, #tpu.memory_space<vmem>>
    %dma_start3A_622 = tpu.memref_squeeze %dma_start3A_621 : memref<1x32x1920xf32, #tpu.memory_space<vmem>> -> memref<32x1920xf32, #tpu.memory_space<vmem>>
    %dma_start3A_623 = arith.constant 0 : i32
    %dma_start3A_624 = tpu.memref_slice %arg2[%dma_start3A_623, %add3A_617] : memref<32x1000000xf32, #tpu.memory_space<hbm>> -> memref<32x1920xf32, #tpu.memory_space<hbm>>
    %dma_start3A_625 = arith.constant 0 : i32
    %dma_start3A_626 = arith.constant 0 : i32
    %dma_start3A_627 = tpu.memref_slice %arg4[%dma_start3A_618, %dma_start3A_625, %dma_start3A_626] : memref<2x32x1920xf32, #tpu.memory_space<vmem>> -> memref<1x32x1920xf32, #tpu.memory_space<vmem>>
    %dma_start3A_628 = tpu.memref_squeeze %dma_start3A_627 : memref<1x32x1920xf32, #tpu.memory_space<vmem>> -> memref<32x1920xf32, #tpu.memory_space<vmem>>
    %dma_start3A_629 = arith.constant 0 : i32
    %dma_start3A_630 = tpu.memref_slice %arg2[%dma_start3A_629, %add3A_617] : memref<32x1000000xf32, #tpu.memory_space<hbm>> -> memref<32x1920xf32, #tpu.memory_space<hbm>>
    tpu.enqueue_dma source(%dma_start3A_630 : memref<32x1920xf32, #tpu.memory_space<hbm>>) target(%dma_start3A_628 : memref<32x1920xf32, #tpu.memory_space<vmem>>) target_semaphore(%arg7 : memref<!tpu.dma_semaphore, #tpu.memory_space<semaphore_mem>>)
    %add3A_631 = arith.constant 19200 : i32
    %add3A_632 = arith.addi %multiple_of3A, %add3A_631 : i32
    %dma_wait3A_633 = arith.constant 0 : i32
    %dma_wait3A_634 = arith.constant 0 : i32
    %dma_wait3A_635 = arith.constant 0 : i32
    %dma_wait3A_636 = tpu.memref_slice %arg4[%dma_wait3A_633, %dma_wait3A_634, %dma_wait3A_635] : memref<2x32x1920xf32, #tpu.memory_space<vmem>> -> memref<1x32x1920xf32, #tpu.memory_space<vmem>>
    %dma_wait3A_637 = tpu.memref_squeeze %dma_wait3A_636 : memref<1x32x1920xf32, #tpu.memory_space<vmem>> -> memref<32x1920xf32, #tpu.memory_space<vmem>>
    %dma_wait3A_638 = arith.constant 0 : i32
    %dma_wait3A_639 = tpu.memref_slice %arg2[%dma_wait3A_638, %add3A_632] : memref<32x1000000xf32, #tpu.memory_space<hbm>> -> memref<32x1920xf32, #tpu.memory_space<hbm>>
    %dma_wait3A_640 = arith.constant 0 : i32
    %dma_wait3A_641 = arith.constant 0 : i32
    %dma_wait3A_642 = tpu.memref_slice %arg4[%dma_wait3A_633, %dma_wait3A_640, %dma_wait3A_641] : memref<2x32x1920xf32, #tpu.memory_space<vmem>> -> memref<1x32x1920xf32, #tpu.memory_space<vmem>>
    %dma_wait3A_643 = tpu.memref_squeeze %dma_wait3A_642 : memref<1x32x1920xf32, #tpu.memory_space<vmem>> -> memref<32x1920xf32, #tpu.memory_space<vmem>>
    %dma_wait3A_644 = arith.constant 0 : i32
    %dma_wait3A_645 = tpu.memref_slice %arg2[%dma_wait3A_644, %add3A_632] : memref<32x1000000xf32, #tpu.memory_space<hbm>> -> memref<32x1920xf32, #tpu.memory_space<hbm>>
    tpu.wait_dma2 semaphore(%arg6 : memref<!tpu.dma_semaphore, #tpu.memory_space<semaphore_mem>>) src(%dma_wait3A_645 : memref<32x1920xf32, #tpu.memory_space<hbm>>) dst(%dma_wait3A_643 : memref<32x1920xf32, #tpu.memory_space<vmem>>)
    %add3A_646 = arith.constant 19200 : i32
    %add3A_647 = arith.addi %multiple_of3A, %add3A_646 : i32
    %dma_start3A_648 = arith.constant 0 : i32
    %dma_start3A_649 = arith.constant 0 : i32
    %dma_start3A_650 = arith.constant 0 : i32
    %dma_start3A_651 = tpu.memref_slice %arg4[%dma_start3A_648, %dma_start3A_649, %dma_start3A_650] : memref<2x32x1920xf32, #tpu.memory_space<vmem>> -> memref<1x32x1920xf32, #tpu.memory_space<vmem>>
    %dma_start3A_652 = tpu.memref_squeeze %dma_start3A_651 : memref<1x32x1920xf32, #tpu.memory_space<vmem>> -> memref<32x1920xf32, #tpu.memory_space<vmem>>
    %dma_start3A_653 = arith.constant 0 : i32
    %dma_start3A_654 = tpu.memref_slice %arg3[%dma_start3A_653, %add3A_647] : memref<32x1000000xf32, #tpu.memory_space<hbm>> -> memref<32x1920xf32, #tpu.memory_space<hbm>>
    %dma_start3A_655 = arith.constant 0 : i32
    %dma_start3A_656 = tpu.memref_slice %arg3[%dma_start3A_655, %add3A_647] : memref<32x1000000xf32, #tpu.memory_space<hbm>> -> memref<32x1920xf32, #tpu.memory_space<hbm>>
    %dma_start3A_657 = arith.constant 0 : i32
    %dma_start3A_658 = arith.constant 0 : i32
    %dma_start3A_659 = tpu.memref_slice %arg4[%dma_start3A_648, %dma_start3A_657, %dma_start3A_658] : memref<2x32x1920xf32, #tpu.memory_space<vmem>> -> memref<1x32x1920xf32, #tpu.memory_space<vmem>>
    %dma_start3A_660 = tpu.memref_squeeze %dma_start3A_659 : memref<1x32x1920xf32, #tpu.memory_space<vmem>> -> memref<32x1920xf32, #tpu.memory_space<vmem>>
    tpu.enqueue_dma source(%dma_start3A_660 : memref<32x1920xf32, #tpu.memory_space<vmem>>) target(%dma_start3A_656 : memref<32x1920xf32, #tpu.memory_space<hbm>>) target_semaphore(%arg8 : memref<!tpu.dma_semaphore, #tpu.memory_space<semaphore_mem>>)
    %add3A_661 = arith.constant 19200 : i32
    %add3A_662 = arith.addi %multiple_of3A, %add3A_661 : i32
    %dma_wait3A_663 = arith.constant 0 : i32
    %dma_wait3A_664 = arith.constant 0 : i32
    %dma_wait3A_665 = arith.constant 0 : i32
    %dma_wait3A_666 = tpu.memref_slice %arg4[%dma_wait3A_663, %dma_wait3A_664, %dma_wait3A_665] : memref<2x32x1920xf32, #tpu.memory_space<vmem>> -> memref<1x32x1920xf32, #tpu.memory_space<vmem>>
    %dma_wait3A_667 = tpu.memref_squeeze %dma_wait3A_666 : memref<1x32x1920xf32, #tpu.memory_space<vmem>> -> memref<32x1920xf32, #tpu.memory_space<vmem>>
    %dma_wait3A_668 = arith.constant 0 : i32
    %dma_wait3A_669 = tpu.memref_slice %arg3[%dma_wait3A_668, %add3A_662] : memref<32x1000000xf32, #tpu.memory_space<hbm>> -> memref<32x1920xf32, #tpu.memory_space<hbm>>
    %dma_wait3A_670 = arith.constant 0 : i32
    %dma_wait3A_671 = tpu.memref_slice %arg3[%dma_wait3A_670, %add3A_662] : memref<32x1000000xf32, #tpu.memory_space<hbm>> -> memref<32x1920xf32, #tpu.memory_space<hbm>>
    %dma_wait3A_672 = arith.constant 0 : i32
    %dma_wait3A_673 = arith.constant 0 : i32
    %dma_wait3A_674 = tpu.memref_slice %arg4[%dma_wait3A_663, %dma_wait3A_672, %dma_wait3A_673] : memref<2x32x1920xf32, #tpu.memory_space<vmem>> -> memref<1x32x1920xf32, #tpu.memory_space<vmem>>
    %dma_wait3A_675 = tpu.memref_squeeze %dma_wait3A_674 : memref<1x32x1920xf32, #tpu.memory_space<vmem>> -> memref<32x1920xf32, #tpu.memory_space<vmem>>
    tpu.wait_dma2 semaphore(%arg8 : memref<!tpu.dma_semaphore, #tpu.memory_space<semaphore_mem>>) src(%dma_wait3A_675 : memref<32x1920xf32, #tpu.memory_space<vmem>>) dst(%dma_wait3A_671 : memref<32x1920xf32, #tpu.memory_space<hbm>>)
    %add3A_676 = arith.constant 23040 : i32
    %add3A_677 = arith.addi %multiple_of3A, %add3A_676 : i32
    %dma_start3A_678 = arith.constant 0 : i32
    %dma_start3A_679 = arith.constant 0 : i32
    %dma_start3A_680 = arith.constant 0 : i32
    %dma_start3A_681 = tpu.memref_slice %arg4[%dma_start3A_678, %dma_start3A_679, %dma_start3A_680] : memref<2x32x1920xf32, #tpu.memory_space<vmem>> -> memref<1x32x1920xf32, #tpu.memory_space<vmem>>
    %dma_start3A_682 = tpu.memref_squeeze %dma_start3A_681 : memref<1x32x1920xf32, #tpu.memory_space<vmem>> -> memref<32x1920xf32, #tpu.memory_space<vmem>>
    %dma_start3A_683 = arith.constant 0 : i32
    %dma_start3A_684 = tpu.memref_slice %arg2[%dma_start3A_683, %add3A_677] : memref<32x1000000xf32, #tpu.memory_space<hbm>> -> memref<32x1920xf32, #tpu.memory_space<hbm>>
    %dma_start3A_685 = arith.constant 0 : i32
    %dma_start3A_686 = arith.constant 0 : i32
    %dma_start3A_687 = tpu.memref_slice %arg4[%dma_start3A_678, %dma_start3A_685, %dma_start3A_686] : memref<2x32x1920xf32, #tpu.memory_space<vmem>> -> memref<1x32x1920xf32, #tpu.memory_space<vmem>>
    %dma_start3A_688 = tpu.memref_squeeze %dma_start3A_687 : memref<1x32x1920xf32, #tpu.memory_space<vmem>> -> memref<32x1920xf32, #tpu.memory_space<vmem>>
    %dma_start3A_689 = arith.constant 0 : i32
    %dma_start3A_690 = tpu.memref_slice %arg2[%dma_start3A_689, %add3A_677] : memref<32x1000000xf32, #tpu.memory_space<hbm>> -> memref<32x1920xf32, #tpu.memory_space<hbm>>
    tpu.enqueue_dma source(%dma_start3A_690 : memref<32x1920xf32, #tpu.memory_space<hbm>>) target(%dma_start3A_688 : memref<32x1920xf32, #tpu.memory_space<vmem>>) target_semaphore(%arg6 : memref<!tpu.dma_semaphore, #tpu.memory_space<semaphore_mem>>)
    %add3A_691 = arith.constant 21120 : i32
    %add3A_692 = arith.addi %multiple_of3A, %add3A_691 : i32
    %dma_wait3A_693 = arith.constant 1 : i32
    %dma_wait3A_694 = arith.constant 0 : i32
    %dma_wait3A_695 = arith.constant 0 : i32
    %dma_wait3A_696 = tpu.memref_slice %arg4[%dma_wait3A_693, %dma_wait3A_694, %dma_wait3A_695] : memref<2x32x1920xf32, #tpu.memory_space<vmem>> -> memref<1x32x1920xf32, #tpu.memory_space<vmem>>
    %dma_wait3A_697 = tpu.memref_squeeze %dma_wait3A_696 : memref<1x32x1920xf32, #tpu.memory_space<vmem>> -> memref<32x1920xf32, #tpu.memory_space<vmem>>
    %dma_wait3A_698 = arith.constant 0 : i32
    %dma_wait3A_699 = tpu.memref_slice %arg2[%dma_wait3A_698, %add3A_692] : memref<32x1000000xf32, #tpu.memory_space<hbm>> -> memref<32x1920xf32, #tpu.memory_space<hbm>>
    %dma_wait3A_700 = arith.constant 0 : i32
    %dma_wait3A_701 = arith.constant 0 : i32
    %dma_wait3A_702 = tpu.memref_slice %arg4[%dma_wait3A_693, %dma_wait3A_700, %dma_wait3A_701] : memref<2x32x1920xf32, #tpu.memory_space<vmem>> -> memref<1x32x1920xf32, #tpu.memory_space<vmem>>
    %dma_wait3A_703 = tpu.memref_squeeze %dma_wait3A_702 : memref<1x32x1920xf32, #tpu.memory_space<vmem>> -> memref<32x1920xf32, #tpu.memory_space<vmem>>
    %dma_wait3A_704 = arith.constant 0 : i32
    %dma_wait3A_705 = tpu.memref_slice %arg2[%dma_wait3A_704, %add3A_692] : memref<32x1000000xf32, #tpu.memory_space<hbm>> -> memref<32x1920xf32, #tpu.memory_space<hbm>>
    tpu.wait_dma2 semaphore(%arg7 : memref<!tpu.dma_semaphore, #tpu.memory_space<semaphore_mem>>) src(%dma_wait3A_705 : memref<32x1920xf32, #tpu.memory_space<hbm>>) dst(%dma_wait3A_703 : memref<32x1920xf32, #tpu.memory_space<vmem>>)
    %add3A_706 = arith.constant 21120 : i32
    %add3A_707 = arith.addi %multiple_of3A, %add3A_706 : i32
    %dma_start3A_708 = arith.constant 1 : i32
    %dma_start3A_709 = arith.constant 0 : i32
    %dma_start3A_710 = arith.constant 0 : i32
    %dma_start3A_711 = tpu.memref_slice %arg4[%dma_start3A_708, %dma_start3A_709, %dma_start3A_710] : memref<2x32x1920xf32, #tpu.memory_space<vmem>> -> memref<1x32x1920xf32, #tpu.memory_space<vmem>>
    %dma_start3A_712 = tpu.memref_squeeze %dma_start3A_711 : memref<1x32x1920xf32, #tpu.memory_space<vmem>> -> memref<32x1920xf32, #tpu.memory_space<vmem>>
    %dma_start3A_713 = arith.constant 0 : i32
    %dma_start3A_714 = tpu.memref_slice %arg3[%dma_start3A_713, %add3A_707] : memref<32x1000000xf32, #tpu.memory_space<hbm>> -> memref<32x1920xf32, #tpu.memory_space<hbm>>
    %dma_start3A_715 = arith.constant 0 : i32
    %dma_start3A_716 = tpu.memref_slice %arg3[%dma_start3A_715, %add3A_707] : memref<32x1000000xf32, #tpu.memory_space<hbm>> -> memref<32x1920xf32, #tpu.memory_space<hbm>>
    %dma_start3A_717 = arith.constant 0 : i32
    %dma_start3A_718 = arith.constant 0 : i32
    %dma_start3A_719 = tpu.memref_slice %arg4[%dma_start3A_708, %dma_start3A_717, %dma_start3A_718] : memref<2x32x1920xf32, #tpu.memory_space<vmem>> -> memref<1x32x1920xf32, #tpu.memory_space<vmem>>
    %dma_start3A_720 = tpu.memref_squeeze %dma_start3A_719 : memref<1x32x1920xf32, #tpu.memory_space<vmem>> -> memref<32x1920xf32, #tpu.memory_space<vmem>>
    tpu.enqueue_dma source(%dma_start3A_720 : memref<32x1920xf32, #tpu.memory_space<vmem>>) target(%dma_start3A_716 : memref<32x1920xf32, #tpu.memory_space<hbm>>) target_semaphore(%arg9 : memref<!tpu.dma_semaphore, #tpu.memory_space<semaphore_mem>>)
    %add3A_721 = arith.constant 21120 : i32
    %add3A_722 = arith.addi %multiple_of3A, %add3A_721 : i32
    %dma_wait3A_723 = arith.constant 1 : i32
    %dma_wait3A_724 = arith.constant 0 : i32
    %dma_wait3A_725 = arith.constant 0 : i32
    %dma_wait3A_726 = tpu.memref_slice %arg4[%dma_wait3A_723, %dma_wait3A_724, %dma_wait3A_725] : memref<2x32x1920xf32, #tpu.memory_space<vmem>> -> memref<1x32x1920xf32, #tpu.memory_space<vmem>>
    %dma_wait3A_727 = tpu.memref_squeeze %dma_wait3A_726 : memref<1x32x1920xf32, #tpu.memory_space<vmem>> -> memref<32x1920xf32, #tpu.memory_space<vmem>>
    %dma_wait3A_728 = arith.constant 0 : i32
    %dma_wait3A_729 = tpu.memref_slice %arg3[%dma_wait3A_728, %add3A_722] : memref<32x1000000xf32, #tpu.memory_space<hbm>> -> memref<32x1920xf32, #tpu.memory_space<hbm>>
    %dma_wait3A_730 = arith.constant 0 : i32
    %dma_wait3A_731 = tpu.memref_slice %arg3[%dma_wait3A_730, %add3A_722] : memref<32x1000000xf32, #tpu.memory_space<hbm>> -> memref<32x1920xf32, #tpu.memory_space<hbm>>
    %dma_wait3A_732 = arith.constant 0 : i32
    %dma_wait3A_733 = arith.constant 0 : i32
    %dma_wait3A_734 = tpu.memref_slice %arg4[%dma_wait3A_723, %dma_wait3A_732, %dma_wait3A_733] : memref<2x32x1920xf32, #tpu.memory_space<vmem>> -> memref<1x32x1920xf32, #tpu.memory_space<vmem>>
    %dma_wait3A_735 = tpu.memref_squeeze %dma_wait3A_734 : memref<1x32x1920xf32, #tpu.memory_space<vmem>> -> memref<32x1920xf32, #tpu.memory_space<vmem>>
    tpu.wait_dma2 semaphore(%arg9 : memref<!tpu.dma_semaphore, #tpu.memory_space<semaphore_mem>>) src(%dma_wait3A_735 : memref<32x1920xf32, #tpu.memory_space<vmem>>) dst(%dma_wait3A_731 : memref<32x1920xf32, #tpu.memory_space<hbm>>)
    %add3A_736 = arith.constant 24960 : i32
    %add3A_737 = arith.addi %multiple_of3A, %add3A_736 : i32
    %dma_start3A_738 = arith.constant 1 : i32
    %dma_start3A_739 = arith.constant 0 : i32
    %dma_start3A_740 = arith.constant 0 : i32
    %dma_start3A_741 = tpu.memref_slice %arg4[%dma_start3A_738, %dma_start3A_739, %dma_start3A_740] : memref<2x32x1920xf32, #tpu.memory_space<vmem>> -> memref<1x32x1920xf32, #tpu.memory_space<vmem>>
    %dma_start3A_742 = tpu.memref_squeeze %dma_start3A_741 : memref<1x32x1920xf32, #tpu.memory_space<vmem>> -> memref<32x1920xf32, #tpu.memory_space<vmem>>
    %dma_start3A_743 = arith.constant 0 : i32
    %dma_start3A_744 = tpu.memref_slice %arg2[%dma_start3A_743, %add3A_737] : memref<32x1000000xf32, #tpu.memory_space<hbm>> -> memref<32x1920xf32, #tpu.memory_space<hbm>>
    %dma_start3A_745 = arith.constant 0 : i32
    %dma_start3A_746 = arith.constant 0 : i32
    %dma_start3A_747 = tpu.memref_slice %arg4[%dma_start3A_738, %dma_start3A_745, %dma_start3A_746] : memref<2x32x1920xf32, #tpu.memory_space<vmem>> -> memref<1x32x1920xf32, #tpu.memory_space<vmem>>
    %dma_start3A_748 = tpu.memref_squeeze %dma_start3A_747 : memref<1x32x1920xf32, #tpu.memory_space<vmem>> -> memref<32x1920xf32, #tpu.memory_space<vmem>>
    %dma_start3A_749 = arith.constant 0 : i32
    %dma_start3A_750 = tpu.memref_slice %arg2[%dma_start3A_749, %add3A_737] : memref<32x1000000xf32, #tpu.memory_space<hbm>> -> memref<32x1920xf32, #tpu.memory_space<hbm>>
    tpu.enqueue_dma source(%dma_start3A_750 : memref<32x1920xf32, #tpu.memory_space<hbm>>) target(%dma_start3A_748 : memref<32x1920xf32, #tpu.memory_space<vmem>>) target_semaphore(%arg7 : memref<!tpu.dma_semaphore, #tpu.memory_space<semaphore_mem>>)
    %add3A_751 = arith.constant 23040 : i32
    %add3A_752 = arith.addi %multiple_of3A, %add3A_751 : i32
    %dma_wait3A_753 = arith.constant 0 : i32
    %dma_wait3A_754 = arith.constant 0 : i32
    %dma_wait3A_755 = arith.constant 0 : i32
    %dma_wait3A_756 = tpu.memref_slice %arg4[%dma_wait3A_753, %dma_wait3A_754, %dma_wait3A_755] : memref<2x32x1920xf32, #tpu.memory_space<vmem>> -> memref<1x32x1920xf32, #tpu.memory_space<vmem>>
    %dma_wait3A_757 = tpu.memref_squeeze %dma_wait3A_756 : memref<1x32x1920xf32, #tpu.memory_space<vmem>> -> memref<32x1920xf32, #tpu.memory_space<vmem>>
    %dma_wait3A_758 = arith.constant 0 : i32
    %dma_wait3A_759 = tpu.memref_slice %arg2[%dma_wait3A_758, %add3A_752] : memref<32x1000000xf32, #tpu.memory_space<hbm>> -> memref<32x1920xf32, #tpu.memory_space<hbm>>
    %dma_wait3A_760 = arith.constant 0 : i32
    %dma_wait3A_761 = arith.constant 0 : i32
    %dma_wait3A_762 = tpu.memref_slice %arg4[%dma_wait3A_753, %dma_wait3A_760, %dma_wait3A_761] : memref<2x32x1920xf32, #tpu.memory_space<vmem>> -> memref<1x32x1920xf32, #tpu.memory_space<vmem>>
    %dma_wait3A_763 = tpu.memref_squeeze %dma_wait3A_762 : memref<1x32x1920xf32, #tpu.memory_space<vmem>> -> memref<32x1920xf32, #tpu.memory_space<vmem>>
    %dma_wait3A_764 = arith.constant 0 : i32
    %dma_wait3A_765 = tpu.memref_slice %arg2[%dma_wait3A_764, %add3A_752] : memref<32x1000000xf32, #tpu.memory_space<hbm>> -> memref<32x1920xf32, #tpu.memory_space<hbm>>
    tpu.wait_dma2 semaphore(%arg6 : memref<!tpu.dma_semaphore, #tpu.memory_space<semaphore_mem>>) src(%dma_wait3A_765 : memref<32x1920xf32, #tpu.memory_space<hbm>>) dst(%dma_wait3A_763 : memref<32x1920xf32, #tpu.memory_space<vmem>>)
    %add3A_766 = arith.constant 23040 : i32
    %add3A_767 = arith.addi %multiple_of3A, %add3A_766 : i32
    %dma_start3A_768 = arith.constant 0 : i32
    %dma_start3A_769 = arith.constant 0 : i32
    %dma_start3A_770 = arith.constant 0 : i32
    %dma_start3A_771 = tpu.memref_slice %arg4[%dma_start3A_768, %dma_start3A_769, %dma_start3A_770] : memref<2x32x1920xf32, #tpu.memory_space<vmem>> -> memref<1x32x1920xf32, #tpu.memory_space<vmem>>
    %dma_start3A_772 = tpu.memref_squeeze %dma_start3A_771 : memref<1x32x1920xf32, #tpu.memory_space<vmem>> -> memref<32x1920xf32, #tpu.memory_space<vmem>>
    %dma_start3A_773 = arith.constant 0 : i32
    %dma_start3A_774 = tpu.memref_slice %arg3[%dma_start3A_773, %add3A_767] : memref<32x1000000xf32, #tpu.memory_space<hbm>> -> memref<32x1920xf32, #tpu.memory_space<hbm>>
    %dma_start3A_775 = arith.constant 0 : i32
    %dma_start3A_776 = tpu.memref_slice %arg3[%dma_start3A_775, %add3A_767] : memref<32x1000000xf32, #tpu.memory_space<hbm>> -> memref<32x1920xf32, #tpu.memory_space<hbm>>
    %dma_start3A_777 = arith.constant 0 : i32
    %dma_start3A_778 = arith.constant 0 : i32
    %dma_start3A_779 = tpu.memref_slice %arg4[%dma_start3A_768, %dma_start3A_777, %dma_start3A_778] : memref<2x32x1920xf32, #tpu.memory_space<vmem>> -> memref<1x32x1920xf32, #tpu.memory_space<vmem>>
    %dma_start3A_780 = tpu.memref_squeeze %dma_start3A_779 : memref<1x32x1920xf32, #tpu.memory_space<vmem>> -> memref<32x1920xf32, #tpu.memory_space<vmem>>
    tpu.enqueue_dma source(%dma_start3A_780 : memref<32x1920xf32, #tpu.memory_space<vmem>>) target(%dma_start3A_776 : memref<32x1920xf32, #tpu.memory_space<hbm>>) target_semaphore(%arg8 : memref<!tpu.dma_semaphore, #tpu.memory_space<semaphore_mem>>)
    %add3A_781 = arith.constant 23040 : i32
    %add3A_782 = arith.addi %multiple_of3A, %add3A_781 : i32
    %dma_wait3A_783 = arith.constant 0 : i32
    %dma_wait3A_784 = arith.constant 0 : i32
    %dma_wait3A_785 = arith.constant 0 : i32
    %dma_wait3A_786 = tpu.memref_slice %arg4[%dma_wait3A_783, %dma_wait3A_784, %dma_wait3A_785] : memref<2x32x1920xf32, #tpu.memory_space<vmem>> -> memref<1x32x1920xf32, #tpu.memory_space<vmem>>
    %dma_wait3A_787 = tpu.memref_squeeze %dma_wait3A_786 : memref<1x32x1920xf32, #tpu.memory_space<vmem>> -> memref<32x1920xf32, #tpu.memory_space<vmem>>
    %dma_wait3A_788 = arith.constant 0 : i32
    %dma_wait3A_789 = tpu.memref_slice %arg3[%dma_wait3A_788, %add3A_782] : memref<32x1000000xf32, #tpu.memory_space<hbm>> -> memref<32x1920xf32, #tpu.memory_space<hbm>>
    %dma_wait3A_790 = arith.constant 0 : i32
    %dma_wait3A_791 = tpu.memref_slice %arg3[%dma_wait3A_790, %add3A_782] : memref<32x1000000xf32, #tpu.memory_space<hbm>> -> memref<32x1920xf32, #tpu.memory_space<hbm>>
    %dma_wait3A_792 = arith.constant 0 : i32
    %dma_wait3A_793 = arith.constant 0 : i32
    %dma_wait3A_794 = tpu.memref_slice %arg4[%dma_wait3A_783, %dma_wait3A_792, %dma_wait3A_793] : memref<2x32x1920xf32, #tpu.memory_space<vmem>> -> memref<1x32x1920xf32, #tpu.memory_space<vmem>>
    %dma_wait3A_795 = tpu.memref_squeeze %dma_wait3A_794 : memref<1x32x1920xf32, #tpu.memory_space<vmem>> -> memref<32x1920xf32, #tpu.memory_space<vmem>>
    tpu.wait_dma2 semaphore(%arg8 : memref<!tpu.dma_semaphore, #tpu.memory_space<semaphore_mem>>) src(%dma_wait3A_795 : memref<32x1920xf32, #tpu.memory_space<vmem>>) dst(%dma_wait3A_791 : memref<32x1920xf32, #tpu.memory_space<hbm>>)
    %add3A_796 = arith.constant 26880 : i32
    %add3A_797 = arith.addi %multiple_of3A, %add3A_796 : i32
    %dma_start3A_798 = arith.constant 0 : i32
    %dma_start3A_799 = arith.constant 0 : i32
    %dma_start3A_800 = arith.constant 0 : i32
    %dma_start3A_801 = tpu.memref_slice %arg4[%dma_start3A_798, %dma_start3A_799, %dma_start3A_800] : memref<2x32x1920xf32, #tpu.memory_space<vmem>> -> memref<1x32x1920xf32, #tpu.memory_space<vmem>>
    %dma_start3A_802 = tpu.memref_squeeze %dma_start3A_801 : memref<1x32x1920xf32, #tpu.memory_space<vmem>> -> memref<32x1920xf32, #tpu.memory_space<vmem>>
    %dma_start3A_803 = arith.constant 0 : i32
    %dma_start3A_804 = tpu.memref_slice %arg2[%dma_start3A_803, %add3A_797] : memref<32x1000000xf32, #tpu.memory_space<hbm>> -> memref<32x1920xf32, #tpu.memory_space<hbm>>
    %dma_start3A_805 = arith.constant 0 : i32
    %dma_start3A_806 = arith.constant 0 : i32
    %dma_start3A_807 = tpu.memref_slice %arg4[%dma_start3A_798, %dma_start3A_805, %dma_start3A_806] : memref<2x32x1920xf32, #tpu.memory_space<vmem>> -> memref<1x32x1920xf32, #tpu.memory_space<vmem>>
    %dma_start3A_808 = tpu.memref_squeeze %dma_start3A_807 : memref<1x32x1920xf32, #tpu.memory_space<vmem>> -> memref<32x1920xf32, #tpu.memory_space<vmem>>
    %dma_start3A_809 = arith.constant 0 : i32
    %dma_start3A_810 = tpu.memref_slice %arg2[%dma_start3A_809, %add3A_797] : memref<32x1000000xf32, #tpu.memory_space<hbm>> -> memref<32x1920xf32, #tpu.memory_space<hbm>>
    tpu.enqueue_dma source(%dma_start3A_810 : memref<32x1920xf32, #tpu.memory_space<hbm>>) target(%dma_start3A_808 : memref<32x1920xf32, #tpu.memory_space<vmem>>) target_semaphore(%arg6 : memref<!tpu.dma_semaphore, #tpu.memory_space<semaphore_mem>>)
    %add3A_811 = arith.constant 24960 : i32
    %add3A_812 = arith.addi %multiple_of3A, %add3A_811 : i32
    %dma_wait3A_813 = arith.constant 1 : i32
    %dma_wait3A_814 = arith.constant 0 : i32
    %dma_wait3A_815 = arith.constant 0 : i32
    %dma_wait3A_816 = tpu.memref_slice %arg4[%dma_wait3A_813, %dma_wait3A_814, %dma_wait3A_815] : memref<2x32x1920xf32, #tpu.memory_space<vmem>> -> memref<1x32x1920xf32, #tpu.memory_space<vmem>>
    %dma_wait3A_817 = tpu.memref_squeeze %dma_wait3A_816 : memref<1x32x1920xf32, #tpu.memory_space<vmem>> -> memref<32x1920xf32, #tpu.memory_space<vmem>>
    %dma_wait3A_818 = arith.constant 0 : i32
    %dma_wait3A_819 = tpu.memref_slice %arg2[%dma_wait3A_818, %add3A_812] : memref<32x1000000xf32, #tpu.memory_space<hbm>> -> memref<32x1920xf32, #tpu.memory_space<hbm>>
    %dma_wait3A_820 = arith.constant 0 : i32
    %dma_wait3A_821 = arith.constant 0 : i32
    %dma_wait3A_822 = tpu.memref_slice %arg4[%dma_wait3A_813, %dma_wait3A_820, %dma_wait3A_821] : memref<2x32x1920xf32, #tpu.memory_space<vmem>> -> memref<1x32x1920xf32, #tpu.memory_space<vmem>>
    %dma_wait3A_823 = tpu.memref_squeeze %dma_wait3A_822 : memref<1x32x1920xf32, #tpu.memory_space<vmem>> -> memref<32x1920xf32, #tpu.memory_space<vmem>>
    %dma_wait3A_824 = arith.constant 0 : i32
    %dma_wait3A_825 = tpu.memref_slice %arg2[%dma_wait3A_824, %add3A_812] : memref<32x1000000xf32, #tpu.memory_space<hbm>> -> memref<32x1920xf32, #tpu.memory_space<hbm>>
    tpu.wait_dma2 semaphore(%arg7 : memref<!tpu.dma_semaphore, #tpu.memory_space<semaphore_mem>>) src(%dma_wait3A_825 : memref<32x1920xf32, #tpu.memory_space<hbm>>) dst(%dma_wait3A_823 : memref<32x1920xf32, #tpu.memory_space<vmem>>)
    %add3A_826 = arith.constant 24960 : i32
    %add3A_827 = arith.addi %multiple_of3A, %add3A_826 : i32
    %dma_start3A_828 = arith.constant 1 : i32
    %dma_start3A_829 = arith.constant 0 : i32
    %dma_start3A_830 = arith.constant 0 : i32
    %dma_start3A_831 = tpu.memref_slice %arg4[%dma_start3A_828, %dma_start3A_829, %dma_start3A_830] : memref<2x32x1920xf32, #tpu.memory_space<vmem>> -> memref<1x32x1920xf32, #tpu.memory_space<vmem>>
    %dma_start3A_832 = tpu.memref_squeeze %dma_start3A_831 : memref<1x32x1920xf32, #tpu.memory_space<vmem>> -> memref<32x1920xf32, #tpu.memory_space<vmem>>
    %dma_start3A_833 = arith.constant 0 : i32
    %dma_start3A_834 = tpu.memref_slice %arg3[%dma_start3A_833, %add3A_827] : memref<32x1000000xf32, #tpu.memory_space<hbm>> -> memref<32x1920xf32, #tpu.memory_space<hbm>>
    %dma_start3A_835 = arith.constant 0 : i32
    %dma_start3A_836 = tpu.memref_slice %arg3[%dma_start3A_835, %add3A_827] : memref<32x1000000xf32, #tpu.memory_space<hbm>> -> memref<32x1920xf32, #tpu.memory_space<hbm>>
    %dma_start3A_837 = arith.constant 0 : i32
    %dma_start3A_838 = arith.constant 0 : i32
    %dma_start3A_839 = tpu.memref_slice %arg4[%dma_start3A_828, %dma_start3A_837, %dma_start3A_838] : memref<2x32x1920xf32, #tpu.memory_space<vmem>> -> memref<1x32x1920xf32, #tpu.memory_space<vmem>>
    %dma_start3A_840 = tpu.memref_squeeze %dma_start3A_839 : memref<1x32x1920xf32, #tpu.memory_space<vmem>> -> memref<32x1920xf32, #tpu.memory_space<vmem>>
    tpu.enqueue_dma source(%dma_start3A_840 : memref<32x1920xf32, #tpu.memory_space<vmem>>) target(%dma_start3A_836 : memref<32x1920xf32, #tpu.memory_space<hbm>>) target_semaphore(%arg9 : memref<!tpu.dma_semaphore, #tpu.memory_space<semaphore_mem>>)
    %add3A_841 = arith.constant 24960 : i32
    %add3A_842 = arith.addi %multiple_of3A, %add3A_841 : i32
    %dma_wait3A_843 = arith.constant 1 : i32
    %dma_wait3A_844 = arith.constant 0 : i32
    %dma_wait3A_845 = arith.constant 0 : i32
    %dma_wait3A_846 = tpu.memref_slice %arg4[%dma_wait3A_843, %dma_wait3A_844, %dma_wait3A_845] : memref<2x32x1920xf32, #tpu.memory_space<vmem>> -> memref<1x32x1920xf32, #tpu.memory_space<vmem>>
    %dma_wait3A_847 = tpu.memref_squeeze %dma_wait3A_846 : memref<1x32x1920xf32, #tpu.memory_space<vmem>> -> memref<32x1920xf32, #tpu.memory_space<vmem>>
    %dma_wait3A_848 = arith.constant 0 : i32
    %dma_wait3A_849 = tpu.memref_slice %arg3[%dma_wait3A_848, %add3A_842] : memref<32x1000000xf32, #tpu.memory_space<hbm>> -> memref<32x1920xf32, #tpu.memory_space<hbm>>
    %dma_wait3A_850 = arith.constant 0 : i32
    %dma_wait3A_851 = tpu.memref_slice %arg3[%dma_wait3A_850, %add3A_842] : memref<32x1000000xf32, #tpu.memory_space<hbm>> -> memref<32x1920xf32, #tpu.memory_space<hbm>>
    %dma_wait3A_852 = arith.constant 0 : i32
    %dma_wait3A_853 = arith.constant 0 : i32
    %dma_wait3A_854 = tpu.memref_slice %arg4[%dma_wait3A_843, %dma_wait3A_852, %dma_wait3A_853] : memref<2x32x1920xf32, #tpu.memory_space<vmem>> -> memref<1x32x1920xf32, #tpu.memory_space<vmem>>
    %dma_wait3A_855 = tpu.memref_squeeze %dma_wait3A_854 : memref<1x32x1920xf32, #tpu.memory_space<vmem>> -> memref<32x1920xf32, #tpu.memory_space<vmem>>
    tpu.wait_dma2 semaphore(%arg9 : memref<!tpu.dma_semaphore, #tpu.memory_space<semaphore_mem>>) src(%dma_wait3A_855 : memref<32x1920xf32, #tpu.memory_space<vmem>>) dst(%dma_wait3A_851 : memref<32x1920xf32, #tpu.memory_space<hbm>>)
    %add3A_856 = arith.constant 28800 : i32
    %add3A_857 = arith.addi %multiple_of3A, %add3A_856 : i32
    %dma_start3A_858 = arith.constant 1 : i32
    %dma_start3A_859 = arith.constant 0 : i32
    %dma_start3A_860 = arith.constant 0 : i32
    %dma_start3A_861 = tpu.memref_slice %arg4[%dma_start3A_858, %dma_start3A_859, %dma_start3A_860] : memref<2x32x1920xf32, #tpu.memory_space<vmem>> -> memref<1x32x1920xf32, #tpu.memory_space<vmem>>
    %dma_start3A_862 = tpu.memref_squeeze %dma_start3A_861 : memref<1x32x1920xf32, #tpu.memory_space<vmem>> -> memref<32x1920xf32, #tpu.memory_space<vmem>>
    %dma_start3A_863 = arith.constant 0 : i32
    %dma_start3A_864 = tpu.memref_slice %arg2[%dma_start3A_863, %add3A_857] : memref<32x1000000xf32, #tpu.memory_space<hbm>> -> memref<32x1920xf32, #tpu.memory_space<hbm>>
    %dma_start3A_865 = arith.constant 0 : i32
    %dma_start3A_866 = arith.constant 0 : i32
    %dma_start3A_867 = tpu.memref_slice %arg4[%dma_start3A_858, %dma_start3A_865, %dma_start3A_866] : memref<2x32x1920xf32, #tpu.memory_space<vmem>> -> memref<1x32x1920xf32, #tpu.memory_space<vmem>>
    %dma_start3A_868 = tpu.memref_squeeze %dma_start3A_867 : memref<1x32x1920xf32, #tpu.memory_space<vmem>> -> memref<32x1920xf32, #tpu.memory_space<vmem>>
    %dma_start3A_869 = arith.constant 0 : i32
    %dma_start3A_870 = tpu.memref_slice %arg2[%dma_start3A_869, %add3A_857] : memref<32x1000000xf32, #tpu.memory_space<hbm>> -> memref<32x1920xf32, #tpu.memory_space<hbm>>
    tpu.enqueue_dma source(%dma_start3A_870 : memref<32x1920xf32, #tpu.memory_space<hbm>>) target(%dma_start3A_868 : memref<32x1920xf32, #tpu.memory_space<vmem>>) target_semaphore(%arg7 : memref<!tpu.dma_semaphore, #tpu.memory_space<semaphore_mem>>)
    %add3A_871 = arith.constant 26880 : i32
    %add3A_872 = arith.addi %multiple_of3A, %add3A_871 : i32
    %dma_wait3A_873 = arith.constant 0 : i32
    %dma_wait3A_874 = arith.constant 0 : i32
    %dma_wait3A_875 = arith.constant 0 : i32
    %dma_wait3A_876 = tpu.memref_slice %arg4[%dma_wait3A_873, %dma_wait3A_874, %dma_wait3A_875] : memref<2x32x1920xf32, #tpu.memory_space<vmem>> -> memref<1x32x1920xf32, #tpu.memory_space<vmem>>
    %dma_wait3A_877 = tpu.memref_squeeze %dma_wait3A_876 : memref<1x32x1920xf32, #tpu.memory_space<vmem>> -> memref<32x1920xf32, #tpu.memory_space<vmem>>
    %dma_wait3A_878 = arith.constant 0 : i32
    %dma_wait3A_879 = tpu.memref_slice %arg2[%dma_wait3A_878, %add3A_872] : memref<32x1000000xf32, #tpu.memory_space<hbm>> -> memref<32x1920xf32, #tpu.memory_space<hbm>>
    %dma_wait3A_880 = arith.constant 0 : i32
    %dma_wait3A_881 = arith.constant 0 : i32
    %dma_wait3A_882 = tpu.memref_slice %arg4[%dma_wait3A_873, %dma_wait3A_880, %dma_wait3A_881] : memref<2x32x1920xf32, #tpu.memory_space<vmem>> -> memref<1x32x1920xf32, #tpu.memory_space<vmem>>
    %dma_wait3A_883 = tpu.memref_squeeze %dma_wait3A_882 : memref<1x32x1920xf32, #tpu.memory_space<vmem>> -> memref<32x1920xf32, #tpu.memory_space<vmem>>
    %dma_wait3A_884 = arith.constant 0 : i32
    %dma_wait3A_885 = tpu.memref_slice %arg2[%dma_wait3A_884, %add3A_872] : memref<32x1000000xf32, #tpu.memory_space<hbm>> -> memref<32x1920xf32, #tpu.memory_space<hbm>>
    tpu.wait_dma2 semaphore(%arg6 : memref<!tpu.dma_semaphore, #tpu.memory_space<semaphore_mem>>) src(%dma_wait3A_885 : memref<32x1920xf32, #tpu.memory_space<hbm>>) dst(%dma_wait3A_883 : memref<32x1920xf32, #tpu.memory_space<vmem>>)
    %add3A_886 = arith.constant 26880 : i32
    %add3A_887 = arith.addi %multiple_of3A, %add3A_886 : i32
    %dma_start3A_888 = arith.constant 0 : i32
    %dma_start3A_889 = arith.constant 0 : i32
    %dma_start3A_890 = arith.constant 0 : i32
    %dma_start3A_891 = tpu.memref_slice %arg4[%dma_start3A_888, %dma_start3A_889, %dma_start3A_890] : memref<2x32x1920xf32, #tpu.memory_space<vmem>> -> memref<1x32x1920xf32, #tpu.memory_space<vmem>>
    %dma_start3A_892 = tpu.memref_squeeze %dma_start3A_891 : memref<1x32x1920xf32, #tpu.memory_space<vmem>> -> memref<32x1920xf32, #tpu.memory_space<vmem>>
    %dma_start3A_893 = arith.constant 0 : i32
    %dma_start3A_894 = tpu.memref_slice %arg3[%dma_start3A_893, %add3A_887] : memref<32x1000000xf32, #tpu.memory_space<hbm>> -> memref<32x1920xf32, #tpu.memory_space<hbm>>
    %dma_start3A_895 = arith.constant 0 : i32
    %dma_start3A_896 = tpu.memref_slice %arg3[%dma_start3A_895, %add3A_887] : memref<32x1000000xf32, #tpu.memory_space<hbm>> -> memref<32x1920xf32, #tpu.memory_space<hbm>>
    %dma_start3A_897 = arith.constant 0 : i32
    %dma_start3A_898 = arith.constant 0 : i32
    %dma_start3A_899 = tpu.memref_slice %arg4[%dma_start3A_888, %dma_start3A_897, %dma_start3A_898] : memref<2x32x1920xf32, #tpu.memory_space<vmem>> -> memref<1x32x1920xf32, #tpu.memory_space<vmem>>
    %dma_start3A_900 = tpu.memref_squeeze %dma_start3A_899 : memref<1x32x1920xf32, #tpu.memory_space<vmem>> -> memref<32x1920xf32, #tpu.memory_space<vmem>>
    tpu.enqueue_dma source(%dma_start3A_900 : memref<32x1920xf32, #tpu.memory_space<vmem>>) target(%dma_start3A_896 : memref<32x1920xf32, #tpu.memory_space<hbm>>) target_semaphore(%arg8 : memref<!tpu.dma_semaphore, #tpu.memory_space<semaphore_mem>>)
    %add3A_901 = arith.constant 26880 : i32
    %add3A_902 = arith.addi %multiple_of3A, %add3A_901 : i32
    %dma_wait3A_903 = arith.constant 0 : i32
    %dma_wait3A_904 = arith.constant 0 : i32
    %dma_wait3A_905 = arith.constant 0 : i32
    %dma_wait3A_906 = tpu.memref_slice %arg4[%dma_wait3A_903, %dma_wait3A_904, %dma_wait3A_905] : memref<2x32x1920xf32, #tpu.memory_space<vmem>> -> memref<1x32x1920xf32, #tpu.memory_space<vmem>>
    %dma_wait3A_907 = tpu.memref_squeeze %dma_wait3A_906 : memref<1x32x1920xf32, #tpu.memory_space<vmem>> -> memref<32x1920xf32, #tpu.memory_space<vmem>>
    %dma_wait3A_908 = arith.constant 0 : i32
    %dma_wait3A_909 = tpu.memref_slice %arg3[%dma_wait3A_908, %add3A_902] : memref<32x1000000xf32, #tpu.memory_space<hbm>> -> memref<32x1920xf32, #tpu.memory_space<hbm>>
    %dma_wait3A_910 = arith.constant 0 : i32
    %dma_wait3A_911 = tpu.memref_slice %arg3[%dma_wait3A_910, %add3A_902] : memref<32x1000000xf32, #tpu.memory_space<hbm>> -> memref<32x1920xf32, #tpu.memory_space<hbm>>
    %dma_wait3A_912 = arith.constant 0 : i32
    %dma_wait3A_913 = arith.constant 0 : i32
    %dma_wait3A_914 = tpu.memref_slice %arg4[%dma_wait3A_903, %dma_wait3A_912, %dma_wait3A_913] : memref<2x32x1920xf32, #tpu.memory_space<vmem>> -> memref<1x32x1920xf32, #tpu.memory_space<vmem>>
    %dma_wait3A_915 = tpu.memref_squeeze %dma_wait3A_914 : memref<1x32x1920xf32, #tpu.memory_space<vmem>> -> memref<32x1920xf32, #tpu.memory_space<vmem>>
    tpu.wait_dma2 semaphore(%arg8 : memref<!tpu.dma_semaphore, #tpu.memory_space<semaphore_mem>>) src(%dma_wait3A_915 : memref<32x1920xf32, #tpu.memory_space<vmem>>) dst(%dma_wait3A_911 : memref<32x1920xf32, #tpu.memory_space<hbm>>)
    %add3A_916 = arith.constant 30720 : i32
    %add3A_917 = arith.addi %multiple_of3A, %add3A_916 : i32
    %dma_start3A_918 = arith.constant 0 : i32
    %dma_start3A_919 = arith.constant 0 : i32
    %dma_start3A_920 = arith.constant 0 : i32
    %dma_start3A_921 = tpu.memref_slice %arg4[%dma_start3A_918, %dma_start3A_919, %dma_start3A_920] : memref<2x32x1920xf32, #tpu.memory_space<vmem>> -> memref<1x32x512xf32, #tpu.memory_space<vmem>>
    %dma_start3A_922 = tpu.memref_squeeze %dma_start3A_921 : memref<1x32x512xf32, #tpu.memory_space<vmem>> -> memref<32x512xf32, #tpu.memory_space<vmem>>
    %dma_start3A_923 = arith.constant 0 : i32
    %dma_start3A_924 = tpu.memref_slice %arg2[%dma_start3A_923, %add3A_917] : memref<32x1000000xf32, #tpu.memory_space<hbm>> -> memref<32x512xf32, #tpu.memory_space<hbm>>
    %dma_start3A_925 = arith.constant 0 : i32
    %dma_start3A_926 = arith.constant 0 : i32
    %dma_start3A_927 = tpu.memref_slice %arg4[%dma_start3A_918, %dma_start3A_925, %dma_start3A_926] : memref<2x32x1920xf32, #tpu.memory_space<vmem>> -> memref<1x32x512xf32, #tpu.memory_space<vmem>>
    %dma_start3A_928 = tpu.memref_squeeze %dma_start3A_927 : memref<1x32x512xf32, #tpu.memory_space<vmem>> -> memref<32x512xf32, #tpu.memory_space<vmem>>
    %dma_start3A_929 = arith.constant 0 : i32
    %dma_start3A_930 = tpu.memref_slice %arg2[%dma_start3A_929, %add3A_917] : memref<32x1000000xf32, #tpu.memory_space<hbm>> -> memref<32x512xf32, #tpu.memory_space<hbm>>
    tpu.enqueue_dma source(%dma_start3A_930 : memref<32x512xf32, #tpu.memory_space<hbm>>) target(%dma_start3A_928 : memref<32x512xf32, #tpu.memory_space<vmem>>) target_semaphore(%arg6 : memref<!tpu.dma_semaphore, #tpu.memory_space<semaphore_mem>>)
    %add3A_931 = arith.constant 28800 : i32
    %add3A_932 = arith.addi %multiple_of3A, %add3A_931 : i32
    %dma_wait3A_933 = arith.constant 1 : i32
    %dma_wait3A_934 = arith.constant 0 : i32
    %dma_wait3A_935 = arith.constant 0 : i32
    %dma_wait3A_936 = tpu.memref_slice %arg4[%dma_wait3A_933, %dma_wait3A_934, %dma_wait3A_935] : memref<2x32x1920xf32, #tpu.memory_space<vmem>> -> memref<1x32x1920xf32, #tpu.memory_space<vmem>>
    %dma_wait3A_937 = tpu.memref_squeeze %dma_wait3A_936 : memref<1x32x1920xf32, #tpu.memory_space<vmem>> -> memref<32x1920xf32, #tpu.memory_space<vmem>>
    %dma_wait3A_938 = arith.constant 0 : i32
    %dma_wait3A_939 = tpu.memref_slice %arg2[%dma_wait3A_938, %add3A_932] : memref<32x1000000xf32, #tpu.memory_space<hbm>> -> memref<32x1920xf32, #tpu.memory_space<hbm>>
    %dma_wait3A_940 = arith.constant 0 : i32
    %dma_wait3A_941 = arith.constant 0 : i32
    %dma_wait3A_942 = tpu.memref_slice %arg4[%dma_wait3A_933, %dma_wait3A_940, %dma_wait3A_941] : memref<2x32x1920xf32, #tpu.memory_space<vmem>> -> memref<1x32x1920xf32, #tpu.memory_space<vmem>>
    %dma_wait3A_943 = tpu.memref_squeeze %dma_wait3A_942 : memref<1x32x1920xf32, #tpu.memory_space<vmem>> -> memref<32x1920xf32, #tpu.memory_space<vmem>>
    %dma_wait3A_944 = arith.constant 0 : i32
    %dma_wait3A_945 = tpu.memref_slice %arg2[%dma_wait3A_944, %add3A_932] : memref<32x1000000xf32, #tpu.memory_space<hbm>> -> memref<32x1920xf32, #tpu.memory_space<hbm>>
    tpu.wait_dma2 semaphore(%arg7 : memref<!tpu.dma_semaphore, #tpu.memory_space<semaphore_mem>>) src(%dma_wait3A_945 : memref<32x1920xf32, #tpu.memory_space<hbm>>) dst(%dma_wait3A_943 : memref<32x1920xf32, #tpu.memory_space<vmem>>)
    %add3A_946 = arith.constant 28800 : i32
    %add3A_947 = arith.addi %multiple_of3A, %add3A_946 : i32
    %dma_start3A_948 = arith.constant 1 : i32
    %dma_start3A_949 = arith.constant 0 : i32
    %dma_start3A_950 = arith.constant 0 : i32
    %dma_start3A_951 = tpu.memref_slice %arg4[%dma_start3A_948, %dma_start3A_949, %dma_start3A_950] : memref<2x32x1920xf32, #tpu.memory_space<vmem>> -> memref<1x32x1920xf32, #tpu.memory_space<vmem>>
    %dma_start3A_952 = tpu.memref_squeeze %dma_start3A_951 : memref<1x32x1920xf32, #tpu.memory_space<vmem>> -> memref<32x1920xf32, #tpu.memory_space<vmem>>
    %dma_start3A_953 = arith.constant 0 : i32
    %dma_start3A_954 = tpu.memref_slice %arg3[%dma_start3A_953, %add3A_947] : memref<32x1000000xf32, #tpu.memory_space<hbm>> -> memref<32x1920xf32, #tpu.memory_space<hbm>>
    %dma_start3A_955 = arith.constant 0 : i32
    %dma_start3A_956 = tpu.memref_slice %arg3[%dma_start3A_955, %add3A_947] : memref<32x1000000xf32, #tpu.memory_space<hbm>> -> memref<32x1920xf32, #tpu.memory_space<hbm>>
    %dma_start3A_957 = arith.constant 0 : i32
    %dma_start3A_958 = arith.constant 0 : i32
    %dma_start3A_959 = tpu.memref_slice %arg4[%dma_start3A_948, %dma_start3A_957, %dma_start3A_958] : memref<2x32x1920xf32, #tpu.memory_space<vmem>> -> memref<1x32x1920xf32, #tpu.memory_space<vmem>>
    %dma_start3A_960 = tpu.memref_squeeze %dma_start3A_959 : memref<1x32x1920xf32, #tpu.memory_space<vmem>> -> memref<32x1920xf32, #tpu.memory_space<vmem>>
    tpu.enqueue_dma source(%dma_start3A_960 : memref<32x1920xf32, #tpu.memory_space<vmem>>) target(%dma_start3A_956 : memref<32x1920xf32, #tpu.memory_space<hbm>>) target_semaphore(%arg9 : memref<!tpu.dma_semaphore, #tpu.memory_space<semaphore_mem>>)
    %add3A_961 = arith.constant 30720 : i32
    %add3A_962 = arith.addi %multiple_of3A, %add3A_961 : i32
    %dma_wait3A_963 = arith.constant 0 : i32
    %dma_wait3A_964 = arith.constant 0 : i32
    %dma_wait3A_965 = arith.constant 0 : i32
    %dma_wait3A_966 = tpu.memref_slice %arg4[%dma_wait3A_963, %dma_wait3A_964, %dma_wait3A_965] : memref<2x32x1920xf32, #tpu.memory_space<vmem>> -> memref<1x32x512xf32, #tpu.memory_space<vmem>>
    %dma_wait3A_967 = tpu.memref_squeeze %dma_wait3A_966 : memref<1x32x512xf32, #tpu.memory_space<vmem>> -> memref<32x512xf32, #tpu.memory_space<vmem>>
    %dma_wait3A_968 = arith.constant 0 : i32
    %dma_wait3A_969 = tpu.memref_slice %arg2[%dma_wait3A_968, %add3A_962] : memref<32x1000000xf32, #tpu.memory_space<hbm>> -> memref<32x512xf32, #tpu.memory_space<hbm>>
    %dma_wait3A_970 = arith.constant 0 : i32
    %dma_wait3A_971 = arith.constant 0 : i32
    %dma_wait3A_972 = tpu.memref_slice %arg4[%dma_wait3A_963, %dma_wait3A_970, %dma_wait3A_971] : memref<2x32x1920xf32, #tpu.memory_space<vmem>> -> memref<1x32x512xf32, #tpu.memory_space<vmem>>
    %dma_wait3A_973 = tpu.memref_squeeze %dma_wait3A_972 : memref<1x32x512xf32, #tpu.memory_space<vmem>> -> memref<32x512xf32, #tpu.memory_space<vmem>>
    %dma_wait3A_974 = arith.constant 0 : i32
    %dma_wait3A_975 = tpu.memref_slice %arg2[%dma_wait3A_974, %add3A_962] : memref<32x1000000xf32, #tpu.memory_space<hbm>> -> memref<32x512xf32, #tpu.memory_space<hbm>>
    tpu.wait_dma2 semaphore(%arg6 : memref<!tpu.dma_semaphore, #tpu.memory_space<semaphore_mem>>) src(%dma_wait3A_975 : memref<32x512xf32, #tpu.memory_space<hbm>>) dst(%dma_wait3A_973 : memref<32x512xf32, #tpu.memory_space<vmem>>)
    %add3A_976 = arith.constant 30720 : i32
    %add3A_977 = arith.addi %multiple_of3A, %add3A_976 : i32
    %dma_start3A_978 = arith.constant 0 : i32
    %dma_start3A_979 = arith.constant 0 : i32
    %dma_start3A_980 = arith.constant 0 : i32
    %dma_start3A_981 = tpu.memref_slice %arg4[%dma_start3A_978, %dma_start3A_979, %dma_start3A_980] : memref<2x32x1920xf32, #tpu.memory_space<vmem>> -> memref<1x32x512xf32, #tpu.memory_space<vmem>>
    %dma_start3A_982 = tpu.memref_squeeze %dma_start3A_981 : memref<1x32x512xf32, #tpu.memory_space<vmem>> -> memref<32x512xf32, #tpu.memory_space<vmem>>
    %dma_start3A_983 = arith.constant 0 : i32
    %dma_start3A_984 = tpu.memref_slice %arg3[%dma_start3A_983, %add3A_977] : memref<32x1000000xf32, #tpu.memory_space<hbm>> -> memref<32x512xf32, #tpu.memory_space<hbm>>
    %dma_start3A_985 = arith.constant 0 : i32
    %dma_start3A_986 = tpu.memref_slice %arg3[%dma_start3A_985, %add3A_977] : memref<32x1000000xf32, #tpu.memory_space<hbm>> -> memref<32x512xf32, #tpu.memory_space<hbm>>
    %dma_start3A_987 = arith.constant 0 : i32
    %dma_start3A_988 = arith.constant 0 : i32
    %dma_start3A_989 = tpu.memref_slice %arg4[%dma_start3A_978, %dma_start3A_987, %dma_start3A_988] : memref<2x32x1920xf32, #tpu.memory_space<vmem>> -> memref<1x32x512xf32, #tpu.memory_space<vmem>>
    %dma_start3A_990 = tpu.memref_squeeze %dma_start3A_989 : memref<1x32x512xf32, #tpu.memory_space<vmem>> -> memref<32x512xf32, #tpu.memory_space<vmem>>
    tpu.enqueue_dma source(%dma_start3A_990 : memref<32x512xf32, #tpu.memory_space<vmem>>) target(%dma_start3A_986 : memref<32x512xf32, #tpu.memory_space<hbm>>) target_semaphore(%arg8 : memref<!tpu.dma_semaphore, #tpu.memory_space<semaphore_mem>>)
    %add3A_991 = arith.constant 28800 : i32
    %add3A_992 = arith.addi %multiple_of3A, %add3A_991 : i32
    %dma_wait3A_993 = arith.constant 1 : i32
    %dma_wait3A_994 = arith.constant 0 : i32
    %dma_wait3A_995 = arith.constant 0 : i32
    %dma_wait3A_996 = tpu.memref_slice %arg4[%dma_wait3A_993, %dma_wait3A_994, %dma_wait3A_995] : memref<2x32x1920xf32, #tpu.memory_space<vmem>> -> memref<1x32x1920xf32, #tpu.memory_space<vmem>>
    %dma_wait3A_997 = tpu.memref_squeeze %dma_wait3A_996 : memref<1x32x1920xf32, #tpu.memory_space<vmem>> -> memref<32x1920xf32, #tpu.memory_space<vmem>>
    %dma_wait3A_998 = arith.constant 0 : i32
    %dma_wait3A_999 = tpu.memref_slice %arg3[%dma_wait3A_998, %add3A_992] : memref<32x1000000xf32, #tpu.memory_space<hbm>> -> memref<32x1920xf32, #tpu.memory_space<hbm>>
    %dma_wait3A_1000 = arith.constant 0 : i32
    %dma_wait3A_1001 = tpu.memref_slice %arg3[%dma_wait3A_1000, %add3A_992] : memref<32x1000000xf32, #tpu.memory_space<hbm>> -> memref<32x1920xf32, #tpu.memory_space<hbm>>
    %dma_wait3A_1002 = arith.constant 0 : i32
    %dma_wait3A_1003 = arith.constant 0 : i32
    %dma_wait3A_1004 = tpu.memref_slice %arg4[%dma_wait3A_993, %dma_wait3A_1002, %dma_wait3A_1003] : memref<2x32x1920xf32, #tpu.memory_space<vmem>> -> memref<1x32x1920xf32, #tpu.memory_space<vmem>>
    %dma_wait3A_1005 = tpu.memref_squeeze %dma_wait3A_1004 : memref<1x32x1920xf32, #tpu.memory_space<vmem>> -> memref<32x1920xf32, #tpu.memory_space<vmem>>
    tpu.wait_dma2 semaphore(%arg9 : memref<!tpu.dma_semaphore, #tpu.memory_space<semaphore_mem>>) src(%dma_wait3A_1005 : memref<32x1920xf32, #tpu.memory_space<vmem>>) dst(%dma_wait3A_1001 : memref<32x1920xf32, #tpu.memory_space<hbm>>)
    %add3A_1006 = arith.constant 30720 : i32
    %add3A_1007 = arith.addi %multiple_of3A, %add3A_1006 : i32
    %dma_wait3A_1008 = arith.constant 0 : i32
    %dma_wait3A_1009 = arith.constant 0 : i32
    %dma_wait3A_1010 = arith.constant 0 : i32
    %dma_wait3A_1011 = tpu.memref_slice %arg4[%dma_wait3A_1008, %dma_wait3A_1009, %dma_wait3A_1010] : memref<2x32x1920xf32, #tpu.memory_space<vmem>> -> memref<1x32x512xf32, #tpu.memory_space<vmem>>
    %dma_wait3A_1012 = tpu.memref_squeeze %dma_wait3A_1011 : memref<1x32x512xf32, #tpu.memory_space<vmem>> -> memref<32x512xf32, #tpu.memory_space<vmem>>
    %dma_wait3A_1013 = arith.constant 0 : i32
    %dma_wait3A_1014 = tpu.memref_slice %arg3[%dma_wait3A_1013, %add3A_1007] : memref<32x1000000xf32, #tpu.memory_space<hbm>> -> memref<32x512xf32, #tpu.memory_space<hbm>>
    %dma_wait3A_1015 = arith.constant 0 : i32
    %dma_wait3A_1016 = tpu.memref_slice %arg3[%dma_wait3A_1015, %add3A_1007] : memref<32x1000000xf32, #tpu.memory_space<hbm>> -> memref<32x512xf32, #tpu.memory_space<hbm>>
    %dma_wait3A_1017 = arith.constant 0 : i32
    %dma_wait3A_1018 = arith.constant 0 : i32
    %dma_wait3A_1019 = tpu.memref_slice %arg4[%dma_wait3A_1008, %dma_wait3A_1017, %dma_wait3A_1018] : memref<2x32x1920xf32, #tpu.memory_space<vmem>> -> memref<1x32x512xf32, #tpu.memory_space<vmem>>
    %dma_wait3A_1020 = tpu.memref_squeeze %dma_wait3A_1019 : memref<1x32x512xf32, #tpu.memory_space<vmem>> -> memref<32x512xf32, #tpu.memory_space<vmem>>
    tpu.wait_dma2 semaphore(%arg8 : memref<!tpu.dma_semaphore, #tpu.memory_space<semaphore_mem>>) src(%dma_wait3A_1020 : memref<32x512xf32, #tpu.memory_space<vmem>>) dst(%dma_wait3A_1016 : memref<32x512xf32, #tpu.memory_space<hbm>>)
    %eq3A = arith.constant 30 : i32
    %eq3A_1021 = arith.cmpi eq, %add3A, %eq3A : i32
    %convert_element_type3A = arith.extui %eq3A_1021 : i1 to i32
    %cond3A = arith.constant 0 : i32
    %cond3A_1022 = arith.cmpi ne, %convert_element_type3A, %cond3A : i32
    scf.if %cond3A_1022 {
      %run_scoped3A = arith.constant 0 : i32
      "tpu.region"() ({
        %run_scoped3A_1029 = tpu.sem_alloc : memref<!tpu.dma_semaphore, #tpu.memory_space<semaphore_mem>>
        %dma_start3A_1030 = arith.constant 0 : i32
        %dma_start3A_1031 = arith.constant 0 : i32
        %dma_start3A_1032 = tpu.memref_slice %arg4[%run_scoped3A, %dma_start3A_1030, %dma_start3A_1031] : memref<2x32x1920xf32, #tpu.memory_space<vmem>> -> memref<1x32x512xf32, #tpu.memory_space<vmem>>
        %dma_start3A_1033 = tpu.memref_squeeze %dma_start3A_1032 : memref<1x32x512xf32, #tpu.memory_space<vmem>> -> memref<32x512xf32, #tpu.memory_space<vmem>>
        %dma_start3A_1034 = arith.constant 0 : i32
        %dma_start3A_1035 = arith.constant 999424 : i32
        %dma_start3A_1036 = tpu.memref_slice %arg2[%dma_start3A_1034, %dma_start3A_1035] : memref<32x1000000xf32, #tpu.memory_space<hbm>> -> memref<32x512xf32, #tpu.memory_space<hbm>>
        %dma_start3A_1037 = arith.constant 0 : i32
        %dma_start3A_1038 = arith.constant 0 : i32
        %dma_start3A_1039 = tpu.memref_slice %arg4[%run_scoped3A, %dma_start3A_1037, %dma_start3A_1038] : memref<2x32x1920xf32, #tpu.memory_space<vmem>> -> memref<1x32x512xf32, #tpu.memory_space<vmem>>
        %dma_start3A_1040 = tpu.memref_squeeze %dma_start3A_1039 : memref<1x32x512xf32, #tpu.memory_space<vmem>> -> memref<32x512xf32, #tpu.memory_space<vmem>>
        %dma_start3A_1041 = arith.constant 0 : i32
        %dma_start3A_1042 = arith.constant 999424 : i32
        %dma_start3A_1043 = tpu.memref_slice %arg2[%dma_start3A_1041, %dma_start3A_1042] : memref<32x1000000xf32, #tpu.memory_space<hbm>> -> memref<32x512xf32, #tpu.memory_space<hbm>>
        tpu.enqueue_dma source(%dma_start3A_1043 : memref<32x512xf32, #tpu.memory_space<hbm>>) target(%dma_start3A_1040 : memref<32x512xf32, #tpu.memory_space<vmem>>) target_semaphore(%run_scoped3A_1029 : memref<!tpu.dma_semaphore, #tpu.memory_space<semaphore_mem>>)
        %dma_wait3A_1044 = arith.constant 0 : i32
        %dma_wait3A_1045 = arith.constant 0 : i32
        %dma_wait3A_1046 = tpu.memref_slice %arg4[%run_scoped3A, %dma_wait3A_1044, %dma_wait3A_1045] : memref<2x32x1920xf32, #tpu.memory_space<vmem>> -> memref<1x32x512xf32, #tpu.memory_space<vmem>>
        %dma_wait3A_1047 = tpu.memref_squeeze %dma_wait3A_1046 : memref<1x32x512xf32, #tpu.memory_space<vmem>> -> memref<32x512xf32, #tpu.memory_space<vmem>>
        %dma_wait3A_1048 = arith.constant 0 : i32
        %dma_wait3A_1049 = arith.constant 999424 : i32
        %dma_wait3A_1050 = tpu.memref_slice %arg2[%dma_wait3A_1048, %dma_wait3A_1049] : memref<32x1000000xf32, #tpu.memory_space<hbm>> -> memref<32x512xf32, #tpu.memory_space<hbm>>
        %dma_wait3A_1051 = arith.constant 0 : i32
        %dma_wait3A_1052 = arith.constant 0 : i32
        %dma_wait3A_1053 = tpu.memref_slice %arg4[%run_scoped3A, %dma_wait3A_1051, %dma_wait3A_1052] : memref<2x32x1920xf32, #tpu.memory_space<vmem>> -> memref<1x32x512xf32, #tpu.memory_space<vmem>>
        %dma_wait3A_1054 = tpu.memref_squeeze %dma_wait3A_1053 : memref<1x32x512xf32, #tpu.memory_space<vmem>> -> memref<32x512xf32, #tpu.memory_space<vmem>>
        %dma_wait3A_1055 = arith.constant 0 : i32
        %dma_wait3A_1056 = arith.constant 999424 : i32
        %dma_wait3A_1057 = tpu.memref_slice %arg2[%dma_wait3A_1055, %dma_wait3A_1056] : memref<32x1000000xf32, #tpu.memory_space<hbm>> -> memref<32x512xf32, #tpu.memory_space<hbm>>
        tpu.wait_dma2 semaphore(%run_scoped3A_1029 : memref<!tpu.dma_semaphore, #tpu.memory_space<semaphore_mem>>) src(%dma_wait3A_1057 : memref<32x512xf32, #tpu.memory_space<hbm>>) dst(%dma_wait3A_1054 : memref<32x512xf32, #tpu.memory_space<vmem>>)
        tpu.yield
      }) : () -> ()
      %run_scoped3A_1028 = arith.constant 0 : i32
      "tpu.region"() ({
        %run_scoped3A_1029 = tpu.sem_alloc : memref<!tpu.dma_semaphore, #tpu.memory_space<semaphore_mem>>
        %dma_start3A_1030 = arith.constant 0 : i32
        %dma_start3A_1031 = arith.constant 0 : i32
        %dma_start3A_1032 = tpu.memref_slice %arg4[%run_scoped3A_1028, %dma_start3A_1030, %dma_start3A_1031] : memref<2x32x1920xf32, #tpu.memory_space<vmem>> -> memref<1x32x512xf32, #tpu.memory_space<vmem>>
        %dma_start3A_1033 = tpu.memref_squeeze %dma_start3A_1032 : memref<1x32x512xf32, #tpu.memory_space<vmem>> -> memref<32x512xf32, #tpu.memory_space<vmem>>
        %dma_start3A_1034 = arith.constant 0 : i32
        %dma_start3A_1035 = arith.constant 999424 : i32
        %dma_start3A_1036 = tpu.memref_slice %arg3[%dma_start3A_1034, %dma_start3A_1035] : memref<32x1000000xf32, #tpu.memory_space<hbm>> -> memref<32x512xf32, #tpu.memory_space<hbm>>
        %dma_start3A_1037 = arith.constant 0 : i32
        %dma_start3A_1038 = arith.constant 999424 : i32
        %dma_start3A_1039 = tpu.memref_slice %arg3[%dma_start3A_1037, %dma_start3A_1038] : memref<32x1000000xf32, #tpu.memory_space<hbm>> -> memref<32x512xf32, #tpu.memory_space<hbm>>
        %dma_start3A_1040 = arith.constant 0 : i32
        %dma_start3A_1041 = arith.constant 0 : i32
        %dma_start3A_1042 = tpu.memref_slice %arg4[%run_scoped3A_1028, %dma_start3A_1040, %dma_start3A_1041] : memref<2x32x1920xf32, #tpu.memory_space<vmem>> -> memref<1x32x512xf32, #tpu.memory_space<vmem>>
        %dma_start3A_1043 = tpu.memref_squeeze %dma_start3A_1042 : memref<1x32x512xf32, #tpu.memory_space<vmem>> -> memref<32x512xf32, #tpu.memory_space<vmem>>
        tpu.enqueue_dma source(%dma_start3A_1043 : memref<32x512xf32, #tpu.memory_space<vmem>>) target(%dma_start3A_1039 : memref<32x512xf32, #tpu.memory_space<hbm>>) target_semaphore(%run_scoped3A_1029 : memref<!tpu.dma_semaphore, #tpu.memory_space<semaphore_mem>>)
        %dma_wait3A_1044 = arith.constant 0 : i32
        %dma_wait3A_1045 = arith.constant 0 : i32
        %dma_wait3A_1046 = tpu.memref_slice %arg4[%run_scoped3A_1028, %dma_wait3A_1044, %dma_wait3A_1045] : memref<2x32x1920xf32, #tpu.memory_space<vmem>> -> memref<1x32x512xf32, #tpu.memory_space<vmem>>
        %dma_wait3A_1047 = tpu.memref_squeeze %dma_wait3A_1046 : memref<1x32x512xf32, #tpu.memory_space<vmem>> -> memref<32x512xf32, #tpu.memory_space<vmem>>
        %dma_wait3A_1048 = arith.constant 0 : i32
        %dma_wait3A_1049 = arith.constant 999424 : i32
        %dma_wait3A_1050 = tpu.memref_slice %arg3[%dma_wait3A_1048, %dma_wait3A_1049] : memref<32x1000000xf32, #tpu.memory_space<hbm>> -> memref<32x512xf32, #tpu.memory_space<hbm>>
        %dma_wait3A_1051 = arith.constant 0 : i32
        %dma_wait3A_1052 = arith.constant 999424 : i32
        %dma_wait3A_1053 = tpu.memref_slice %arg3[%dma_wait3A_1051, %dma_wait3A_1052] : memref<32x1000000xf32, #tpu.memory_space<hbm>> -> memref<32x512xf32, #tpu.memory_space<hbm>>
        %dma_wait3A_1054 = arith.constant 0 : i32
        %dma_wait3A_1055 = arith.constant 0 : i32
        %dma_wait3A_1056 = tpu.memref_slice %arg4[%run_scoped3A_1028, %dma_wait3A_1054, %dma_wait3A_1055] : memref<2x32x1920xf32, #tpu.memory_space<vmem>> -> memref<1x32x512xf32, #tpu.memory_space<vmem>>
        %dma_wait3A_1057 = tpu.memref_squeeze %dma_wait3A_1056 : memref<1x32x512xf32, #tpu.memory_space<vmem>> -> memref<32x512xf32, #tpu.memory_space<vmem>>
        tpu.wait_dma2 semaphore(%run_scoped3A_1029 : memref<!tpu.dma_semaphore, #tpu.memory_space<semaphore_mem>>) src(%dma_wait3A_1057 : memref<32x512xf32, #tpu.memory_space<vmem>>) dst(%dma_wait3A_1053 : memref<32x512xf32, #tpu.memory_space<hbm>>)
        tpu.yield
      }) : () -> ()
    } else {
    }
    %eq3A_1023 = arith.constant 31 : i32
    %eq3A_1024 = arith.cmpi eq, %add3A, %eq3A_1023 : i32
    %convert_element_type3A_1025 = arith.extui %eq3A_1024 : i1 to i32
    %cond3A_1026 = arith.constant 0 : i32
    %cond3A_1027 = arith.cmpi ne, %convert_element_type3A_1025, %cond3A_1026 : i32
    scf.if %cond3A_1027 {
      "tpu.region"() ({
        %run_scoped3A = tpu.sem_alloc : memref<!tpu.dma_semaphore, #tpu.memory_space<semaphore_mem>>
        %dma_start3A_1028 = arith.constant 0 : i32
        %dma_start3A_1029 = arith.constant 999936 : i32
        %dma_start3A_1030 = tpu.memref_slice %arg2[%dma_start3A_1028, %dma_start3A_1029] : memref<32x1000000xf32, #tpu.memory_space<hbm>> -> memref<32x64xf32, #tpu.memory_space<hbm>>
        %dma_start3A_1031 = arith.constant 0 : i32
        %dma_start3A_1032 = arith.constant 999936 : i32
        %dma_start3A_1033 = tpu.memref_slice %arg2[%dma_start3A_1031, %dma_start3A_1032] : memref<32x1000000xf32, #tpu.memory_space<hbm>> -> memref<32x64xf32, #tpu.memory_space<hbm>>
        tpu.enqueue_dma source(%dma_start3A_1033 : memref<32x64xf32, #tpu.memory_space<hbm>>) target(%arg5 : memref<32x64xf32, #tpu.memory_space<vmem>>) target_semaphore(%run_scoped3A : memref<!tpu.dma_semaphore, #tpu.memory_space<semaphore_mem>>)
        %dma_wait3A_1034 = arith.constant 0 : i32
        %dma_wait3A_1035 = arith.constant 999936 : i32
        %dma_wait3A_1036 = tpu.memref_slice %arg2[%dma_wait3A_1034, %dma_wait3A_1035] : memref<32x1000000xf32, #tpu.memory_space<hbm>> -> memref<32x64xf32, #tpu.memory_space<hbm>>
        %dma_wait3A_1037 = arith.constant 0 : i32
        %dma_wait3A_1038 = arith.constant 999936 : i32
        %dma_wait3A_1039 = tpu.memref_slice %arg2[%dma_wait3A_1037, %dma_wait3A_1038] : memref<32x1000000xf32, #tpu.memory_space<hbm>> -> memref<32x64xf32, #tpu.memory_space<hbm>>
        tpu.wait_dma2 semaphore(%run_scoped3A : memref<!tpu.dma_semaphore, #tpu.memory_space<semaphore_mem>>) src(%dma_wait3A_1039 : memref<32x64xf32, #tpu.memory_space<hbm>>) dst(%arg5 : memref<32x64xf32, #tpu.memory_space<vmem>>)
        tpu.yield
      }) : () -> ()
      "tpu.region"() ({
        %run_scoped3A = tpu.sem_alloc : memref<!tpu.dma_semaphore, #tpu.memory_space<semaphore_mem>>
        %dma_start3A_1028 = arith.constant 0 : i32
        %dma_start3A_1029 = arith.constant 999936 : i32
        %dma_start3A_1030 = tpu.memref_slice %arg3[%dma_start3A_1028, %dma_start3A_1029] : memref<32x1000000xf32, #tpu.memory_space<hbm>> -> memref<32x64xf32, #tpu.memory_space<hbm>>
        %dma_start3A_1031 = arith.constant 0 : i32
        %dma_start3A_1032 = arith.constant 999936 : i32
        %dma_start3A_1033 = tpu.memref_slice %arg3[%dma_start3A_1031, %dma_start3A_1032] : memref<32x1000000xf32, #tpu.memory_space<hbm>> -> memref<32x64xf32, #tpu.memory_space<hbm>>
        tpu.enqueue_dma source(%arg5 : memref<32x64xf32, #tpu.memory_space<vmem>>) target(%dma_start3A_1033 : memref<32x64xf32, #tpu.memory_space<hbm>>) target_semaphore(%run_scoped3A : memref<!tpu.dma_semaphore, #tpu.memory_space<semaphore_mem>>)
        %dma_wait3A_1034 = arith.constant 0 : i32
        %dma_wait3A_1035 = arith.constant 999936 : i32
        %dma_wait3A_1036 = tpu.memref_slice %arg3[%dma_wait3A_1034, %dma_wait3A_1035] : memref<32x1000000xf32, #tpu.memory_space<hbm>> -> memref<32x64xf32, #tpu.memory_space<hbm>>
        %dma_wait3A_1037 = arith.constant 0 : i32
        %dma_wait3A_1038 = arith.constant 999936 : i32
        %dma_wait3A_1039 = tpu.memref_slice %arg3[%dma_wait3A_1037, %dma_wait3A_1038] : memref<32x1000000xf32, #tpu.memory_space<hbm>> -> memref<32x64xf32, #tpu.memory_space<hbm>>
        tpu.wait_dma2 semaphore(%run_scoped3A : memref<!tpu.dma_semaphore, #tpu.memory_space<semaphore_mem>>) src(%arg5 : memref<32x64xf32, #tpu.memory_space<vmem>>) dst(%dma_wait3A_1039 : memref<32x64xf32, #tpu.memory_space<hbm>>)
        tpu.yield
      }) : () -> ()
    } else {
    }
    return
  }
}

</mosaic_0001>

<sc_bundles>
// kernel: kernel.3.cloned.1.call-start
scs
__scs_entry_jumppad:
0x0: {  	(pc) =	sbr.rel $0x88, $3  }
0x1: {  	(tag) =	ssettag $0x0;
	lr =	simm.s32 $0x1  }
0x2: {  	[smem:$0x3FA0] =	sst lr;
	_ =	strace $0xD0000000  }
0x3: {  	_ = 	snop  }
0x4: {  	_ = 	snop  }
0x5: {  	_ = 	snop  }
0x6: {  	_ = 	snop  }
0x7: {  	_ = 	snop  }
__scs_overlays_trampoline_lowered:
0x8: {  	[smem:$0x3FAF] =	sst s0  }
0x9: {  	[smem:$0x3FB0] =	sst s1  }
0xa: {  	[smem:$0x3FB1] =	sst s2  }
0xb: {  	[smem:$0x3FB2] =	sst s3  }
0xc: {  	[smem:$0x3FB3] =	sst s4  }
0xd: {  	[smem:$0x3FB4] =	sst s5  }
0xe: {  	[smem:$0x3FB5] =	sst s6  }
0xf: {  	[smem:$0x3FB6] =	sst s7  }
0x10: {  	[smem:$0x3FB7] =	sst s8  }
0x11: {  	[smem:$0x3FB8] =	sst s9;
	s0 =	simm.s32 @!p0 $0x0  }
0x12: {  	s1 =	sld [smem:$0x3F9E];
	s0 =	simm.s32 @p0 $0x1  }
0x13: {  	[smem:$0x3FB9] =	sst s0;
	s0 =	simm.s32 @!p1 $0x0  }
0x14: {  	s2 =	sld [smem:$0x3F9D];
	s0 =	simm.s32 @p1 $0x1  }
0x15: {  	[smem:$0x3FBA] =	sst s0;
	s0 =	simm.s32 @!p2 $0x0  }
0x16: {  	s3 =	sld [smem:$0x3FDB];
	s0 =	simm.s32 @p2 $0x1  }
0x17: {  	s4 =	simm.s32 $0x1BF5;
	[smem:$0x3FBC] =	sst s0  }
0x18: {  	s0 =	sld [smem:$0x3F9F];
	_ =	swait.ge [sflag:s4], $0x0  }
0x19: {  	s7 =	sld [smem:$0x3FA0]  }
0x1a: {  	s8 =	sadd.s32 $0xFFFFE003, lr  }
0x1b: {  	s9 =	sadd.s32 $0xFFFFFEF7, lr;
	s5 =	simm.s32 $0xFFFFFFFF;
	p2 =	slt.u32 s8, $0xFFFFF086  }
0x1c: {  	p1 =	slt.u32 s9, $0xF7A;
	s5 =	simm.s32 @!p2 $0x0  }
0x1d: {  	s5 =	simm.s32 @p1 $0x1;
	p0 =	seq.s32 s7, s2  }
0x1e: {  	s7 =	smul.u32 @!p0 $0xF7A, s2;
	p2 =	seq.s32 @!p0 s5, $0x0  }
0x1f: {  	s9 =	smul.u32 $0xF7A, s1;
	s8 =	simm.s32 @!p0 $0x1BF5;
	p2 =	por !p2, p0  }
0x20: {  	[sflag:s8] =	ssyncset.s32 @!p0 $0xFFFFF086;
	s6 =	sadd.s32 @!p0 s3, s7;
	s7 =	simm.s32 @!p0 $0x108  }
0x21: {  	s3 =	sadd.s32 s3, s9;
	s6 =	sadd.s32 @!p0 $0x88, s6;
	s7 =	simm.s32 @p2 $0x1082  }
0x22: {  	[simem:s7], [sflag:s8] =	dma.local @!p0 [hbm:s6], $0xF7A  }
0x23: {  	s9 =	sor.u32 $0xD0000000, s2;
	s6 =	simm.s32 $0x108;
	_ =	swait.ge @!p0 [sflag:s8], $0x0  }
0x24: {  	s3 =	sadd.s32 $0x88, s3;
	s6 =	simm.s32 @!p1 $0x1082;
	[sflag:s4] =	ssyncset.s32 $0xFFFFF086  }
0x25: {  	[simem:s6], [sflag:s4] =	dma.local [hbm:s3], $0xF7A  }
0x26: {  	[smem:$0x3FA0] =	sst s1;
	(tag) =	ssettag s2;
	_ =	strace s9  }
0x27: {  	s1 =	sld [smem:$0x3FB0]  }
0x28: {  	s2 =	sld [smem:$0x3FB1]  }
0x29: {  	s4 =	sld [smem:$0x3FB3]  }
0x2a: {  	p0 =	seq.s32 s5, $0x0;
	s5 =	sld [smem:$0x3FB4]  }
0x2b: {  	s6 =	sld [smem:$0x3FB5]  }
0x2c: {  	s7 =	sld [smem:$0x3FB6]  }
0x2d: {  	s3 =	simm.s32 $0x108;
	s8 =	sld [smem:$0x3FB7]  }
0x2e: {  	s3 =	simm.s32 @!p0 $0x1082;
	s9 =	sld [smem:$0x3FB8]  }
0x2f: {  	lr =	sadd.s32 s0, s3;
	s0 =	sld [smem:$0x3FAF]  }
0x30: {  	s3 =	sld [smem:$0x3FB2]  }
0x31: {  	[smem:$0x3FBB] =	sst s10  }
0x32: {  	s10 =	sld [smem:$0x3FB9];
	_ =	sdelay $0x3  }
0x33: {  	p0 =	seq.s32 s10, $0x1;
	s10 =	sld [smem:$0x3FBB];
	_ =	sdelay $0x3  }
0x34: {  	[smem:$0x3FBB] =	sst s10  }
0x35: {  	s10 =	sld [smem:$0x3FBA];
	_ =	sdelay $0x3  }
0x36: {  	p1 =	seq.s32 s10, $0x1;
	s10 =	sld [smem:$0x3FBB];
	_ =	sdelay $0x3  }
0x37: {  	[smem:$0x3FBB] =	sst s10  }
0x38: {  	s10 =	sld [smem:$0x3FBC]  }
0x39: {  	_ = 	snop;
	(pc) =	sbr.ind lr, $3  }
0x3a: {  	_ = 	snop  }
0x3b: {  	_ = 	snop  }
0x3c: {  	p2 =	seq.s32 s10, $0x1;
	s10 =	sld [smem:$0x3FBB]  }
0x3d: {  	_ =	shalt  }
0x3e: {  	_ =	shalt  }
0x3f: {  	_ =	shalt  }
0x40: {  	_ =	shalt  }
0x41: {  	_ =	shalt  }
0x42: {  	_ =	shalt  }
0x43: {  	_ =	shalt  }
0x44: {  	_ =	shalt  }
0x45: {  	_ =	shalt  }
0x46: {  	_ =	shalt  }
0x47: {  	_ =	shalt  }
0x48: {  	_ =	shalt  }
0x49: {  	_ =	shalt  }
0x4a: {  	_ =	shalt  }
0x4b: {  	_ =	shalt  }
0x4c: {  	_ =	shalt  }
0x4d: {  	_ =	shalt  }
0x4e: {  	_ =	shalt  }
0x4f: {  	_ =	shalt  }
0x50: {  	_ =	shalt  }
0x51: {  	_ =	shalt  }
0x52: {  	_ =	shalt  }
0x53: {  	_ =	shalt  }
0x54: {  	_ =	shalt  }
0x55: {  	_ =	shalt  }
0x56: {  	_ =	shalt  }
0x57: {  	_ =	shalt  }
0x58: {  	_ =	shalt  }
0x59: {  	_ =	shalt  }
0x5a: {  	_ =	shalt  }
0x5b: {  	_ =	shalt  }
0x5c: {  	_ =	shalt  }
0x5d: {  	_ =	shalt  }
0x5e: {  	_ =	shalt  }
0x5f: {  	_ =	shalt  }
0x60: {  	_ =	shalt  }
0x61: {  	_ =	shalt  }
0x62: {  	_ =	shalt  }
0x63: {  	_ =	shalt  }
0x64: {  	_ =	shalt  }
0x65: {  	_ =	shalt  }
0x66: {  	_ =	shalt  }
0x67: {  	_ =	shalt  }
0x68: {  	_ =	shalt  }
0x69: {  	_ =	shalt  }
0x6a: {  	_ =	shalt  }
0x6b: {  	_ =	shalt  }
0x6c: {  	_ =	shalt  }
0x6d: {  	_ =	shalt  }
0x6e: {  	_ =	shalt  }
0x6f: {  	_ =	shalt  }
0x70: {  	_ =	shalt  }
0x71: {  	_ =	shalt  }
0x72: {  	_ =	shalt  }
0x73: {  	_ =	shalt  }
0x74: {  	_ =	shalt  }
0x75: {  	_ =	shalt  }
0x76: {  	_ =	shalt  }
0x77: {  	_ =	shalt  }
0x78: {  	_ =	shalt  }
0x79: {  	_ =	shalt  }
0x7a: {  	_ =	shalt  }
0x7b: {  	_ =	shalt  }
0x7c: {  	_ =	shalt  }
0x7d: {  	_ =	shalt  }
0x7e: {  	_ =	shalt  }
0x7f: {  	_ =	shalt  }
0x80: {  	_ =	shalt  }
0x81: {  	_ =	shalt  }
0x82: {  	_ =	shalt  }
0x83: {  	_ =	shalt  }
0x84: {  	_ =	shalt  }
0x85: {  	_ =	shalt  }
0x86: {  	_ =	shalt  }
0x87: {  	_ =	shalt  }
.Lfunc_end0:
.L_simem_size_0:
called_computation_lowered:
.L_overlay_start_0:
0x88: {  	s2 =	sld [smem:$0x3FD9]  }
0x89: {  	s3 =	sld [smem:$0x3FFE];
	_ =	sdelay $0x1  }
0x8a: {  	s1 =	srdreg.scid  }
0x8b: {  	s0 =	sand.u32 $0x1, s1  }
0x8c: {  	s18 =	sshll.u32 s0, $0xA;
	s2 =	sadd.s32 s3, s2  }
0x8d: {  	s2 =	sadd.s32 s2, s18  }
0x8e: {  	[smem:$0x3FC7] =	sst s2  }
0x8f: {  	_ = 	snop  }
0x90: {  	s2 =	sld [smem:$0x3FC9]  }
0x91: {  	s19 =	sld [smem:$0x3FD0];
	(tm) =	ssettm $0x1  }
0x92: {  	s4 =	sld [smem:$0x3FFB];
	_ =	sdelay $0x3  }
0x93: {  	_ =	strace s4  }
0x94: {  	s4 =	sld [smem:$0x3FFC];
	_ =	sdelay $0x3  }
0x95: {  	_ =	strace s4  }
0x96: {  	s4 =	sld [smem:$0x3FFD];
	_ =	sdelay $0x3  }
0x97: {  	_ =	strace s4  }
0x98: {  	_ =	strace $0x8FFFFFFF  }
0x99: {  	s20 =	sld [smem:$0x3FDB];
	_ =	sdelay $0x1  }
0x9a: {  	s5 =	simm.s32 $_scs_section_size  }
0x9b: {  	s6 =	simm.s32 $_size__tile_overlayer_lowered;
	s7 =	simm.s32 $_tile_overlayer_lowered  }
0x9c: {  	s23 =	simm.s32 $0x1BFF;
	s22 =	sshll.u32 s7, $0x1;
	s4 =	sadd.s32 s5, s20  }
0x9d: {  	s8 =	simm.s32 $0x0;
	s21 =	sshll.u32 s6, $0x1;
	s6 =	sadd.s32 s22, s4  }
0x9e: {  	[timem:s8], [sflag:s23] =	dma.local [hbm:s6], s21  }
0x9f: {  	_ =	swait.ge [sflag:s23], s21  }
0xa0: {  	s5 =	ssub.s32 $0x0, s21;
	[sflag:s23] =	ssyncset.done $0x0  }
0xa1: {  	[sflag:s23] =	ssyncadd.s32 s5;
	_ =	sdelay $0x1  }
0xa2: {  	s24 =	simm.s32 $0x1B8B  }
0xa3: {  	_ =	swait.ge [sflag:s24], $0x1  }
0xa4: {  	[sflag:s24] =	ssyncset.done $0x0  }
0xa5: {  	s25 =	simm.s32 $0x1B8E;
	[sflag:s24] =	ssyncadd.s32 $0xFFFFFFFF  }
0xa6: {  	s26 =	simm.s32 $execute0_lowered;
	[smem:$0x3FD2] =	sst s25  }
0xa7: {  	s5 =	sshll.u32 s26, $0x1;
	_ =	strace $0x80000046;
	[dreg:$0x1] =	wrdreg $0xFFFFFFFF  }
0xa8: {  	s28 =	simm.s32 $_size_execute0_lowered;
	s4 =	sadd.s32 s4, s5;
	[dreg:$0x0] =	wrdreg $0x0  }
0xa9: {  	s5 =	sshll.u32 s28, $0x1;
	[dreg:$0x2] =	wrdreg s4  }
0xaa: {  	[dreg:$0x3] =	wrdreg s5  }
0xab: {  	[dreg:$0x4] =	wrdreg $0xC0  }
0xac: {  	_ =	task [dreg:s8], $0x5FFFF  }
0xad: {  	[dreg:$0x1] =	wrdreg $0xFFFFFFFF  }
0xae: {  	[dreg:$0x0] =	wrdreg $0x60  }
0xaf: {  	[dreg:$0x2] =	wrdreg s2  }
0xb0: {  	[dreg:$0x3] =	wrdreg s19  }
0xb1: {  	[dreg:$0x4] =	wrdreg $0x9  }
0xb2: {  	_ =	task.clear_ibuf [dreg:s8], $0x5FFFF;
	_ =	strace $0x90000046  }
0xb3: {  	s29 =	simm.s32 $0x9;
	_ =	strace $0x80000048  }
0xb4: {  	_ =	swait.ge [sflag:s29], $0x1  }
0xb5: {  	[sflag:s29] =	ssyncadd.s32 $0xFFFFFFFF  }
0xb6: {  	_ =	strace $0x90000048  }
0xb7: {  	_ =	sfence  }
0xb8: {  	s30 =	sld [smem:$0x0];
	_ =	sdelay $0x2  }
0xb9: {  	s31 =	sshll.u32 s1, $0xD;
	s1 =	sshrl.u32 s1, $0x2  }
0xba: {  	s3 =	sand.u32 $0x4000, s31;
	s1 =	sadd.s32 s1, s30  }
0xbb: {  	s0 =	sor.u32 s3, s0;
	s1 =	sshll.u32 s1, $0x11  }
0xbc: {  	s0 =	sor.u32 s1, s0  }
0xbd: {  	s0 =	sadd.s32 $0x8F2B, s0  }
0xbe: {  	[sflag:s0] =	ssyncadd.remote.s32 $0x1  }
0xbf: {  	_ =	sfence.sel $0xFFFF  }
0xc0: {  	[dreg:$0x0] =	wrdreg $0xFFFFFFFF;
	(pc) =	sbr.abs _section_cstart, $3  }
0xc1: {  	[dreg:$0x1] =	wrdreg $0xFFFFFFFF  }
0xc2: {  	_ =	task.clear_ibuf [dreg:s8], $0x2FFFF;
	_ =	strace $0x9FFFFFFF  }
0xc3: {  	(tm) =	ssettm $0x7FFFFFFF  }
tec
execute0_lowered:
.L_overlay_start_1:
0x0: {  	(tag) =	ssettag $0x1  }
0x1: {  	s0 =	srdreg.scid;
	s9 =	stileid.u32  }
0x2: {  	s4 =	sand.u32 $0x1, s0;
	s19 =	sshll.u32 s9, $0x1  }
0x3: {  	s1 =	rddreg [dreg:$0x0];
	s0 =	sor.u32 s4, s19  }
0x4: {  	s3 =	rddreg [dreg:$0x1];
	s5 =	smul.u32 $0x3D000, s0  }
0x5: {  	s22 =	rddreg [dreg:$0x2];
	s2 =	simm.s32 $0x0;
	s6 =	smul.u32 $0x7A00, s0  }
0x6: {  	[smem:$0x7FF] =	sst s2  }
0x7: {  	_ =	strace $0x80000047;
	s5 =	sshrl.u32 s5, $0x3;
	s7 =	sadd.s32 s1, s6  }
0x8: {  	s6 =	sadd.s32 s3, s6;
	s8 =	sadd.s32 $0x780, s5;
	[dreg:$0x3] =	wrdreg s7  }
0x9: {  	s21 =	sadd.s32 $0xF00, s5;
	[dreg:$0x5] =	wrdreg s6;
	s20 =	sadd.s32 s1, s8  }
0xa: {  	s23 =	sadd.s32 s1, s21;
	[dreg:$0x4] =	wrdreg s20  }
0xb: {  	s25 =	sadd.s32 $0x1680, s5;
	s24 =	sadd.s32 s3, s8;
	[dreg:$0x6] =	wrdreg s23  }
0xc: {  	p2 =	por $0x0, $0x0;
	s26 =	sadd.s32 s1, s25;
	[dreg:$0x7] =	wrdreg s24  }
0xd: {  	s30 =	sadd.s32 $0x1E00, s5;
	s28 =	sadd.s32 s3, s21;
	[dreg:$0x8] =	wrdreg s26  }
0xe: {  	s4 =	ssub.s32 $0x2, s4;
	s31 =	sadd.s32 s1, s30;
	[dreg:$0x9] =	wrdreg s28  }
0xf: {  	s10 =	sadd.s32 $0x2580, s5;
	s8 =	sadd.s32 s3, s25;
	[dreg:$0xa] =	wrdreg s31  }
0x10: {  	p1 =	seq.s32 s0, $0x1F;
	s11 =	sadd.s32 s1, s10;
	[dreg:$0xb] =	wrdreg s8  }
0x11: {  	s13 =	sadd.s32 $0x2D00, s5;
	s12 =	sadd.s32 s3, s30;
	[dreg:$0xc] =	wrdreg s11  }
0x12: {  	p0 =	sne.s32 @!p1 s0, $0x1E;
	s14 =	sadd.s32 s1, s13;
	[dreg:$0xd] =	wrdreg s12  }
0x13: {  	s16 =	sadd.s32 $0x3480, s5;
	s15 =	sadd.s32 s3, s10;
	[dreg:$0xe] =	wrdreg s14  }
0x14: {  	p0 =	por p0, p1;
	s17 =	sadd.s32 s1, s16;
	[dreg:$0xf] =	wrdreg s15  }
0x15: {  	s19 =	sadd.s32 $0x3C00, s5;
	s18 =	sadd.s32 s3, s13;
	[dreg:$0x10] =	wrdreg s17  }
0x16: {  	s21 =	sadd.s32 s3, s16;
	s25 =	sadd.s32 s3, s19;
	[dreg:$0x11] =	wrdreg s18  }
0x17: {  	s20 =	sadd.s32 s1, s19;
	s23 =	sadd.s32 $0x4380, s5;
	[dreg:$0x13] =	wrdreg s21  }
0x18: {  	s26 =	sadd.s32 $0x4B00, s5;
	[dreg:$0x15] =	wrdreg s25;
	s31 =	sadd.s32 $0x5280, s5  }
0x19: {  	s12 =	sadd.s32 $0x5A00, s5;
	[dreg:$0x12] =	wrdreg s20;
	s24 =	sadd.s32 s1, s23  }
0x1a: {  	s15 =	sadd.s32 $0x6180, s5;
	s28 =	sadd.s32 s1, s26;
	[dreg:$0x14] =	wrdreg s24  }
0x1b: {  	s18 =	sadd.s32 $0x6900, s5;
	s30 =	sadd.s32 s3, s23;
	[dreg:$0x16] =	wrdreg s28  }
0x1c: {  	s21 =	sadd.s32 $0x7080, s5;
	s10 =	sadd.s32 s1, s31;
	[dreg:$0x17] =	wrdreg s30  }
0x1d: {  	s25 =	sshrl.u32 s4, $0x1;
	s11 =	sadd.s32 s3, s26;
	[dreg:$0x18] =	wrdreg s10  }
0x1e: {  	s5 =	sadd.s32 $0x7800, s5;
	s13 =	sadd.s32 s1, s12;
	[dreg:$0x19] =	wrdreg s11  }
0x1f: {  	s8 =	sadd.s32 $0xF4000, s3;
	s14 =	sadd.s32 s3, s31;
	[dreg:$0x1a] =	wrdreg s13  }
0x20: {  	s16 =	sadd.s32 s1, s15;
	s17 =	sadd.s32 s3, s12;
	[dreg:$0x1b] =	wrdreg s14  }
0x21: {  	s19 =	sadd.s32 s1, s18;
	s20 =	sadd.s32 s3, s15;
	[dreg:$0x1c] =	wrdreg s16  }
0x22: {  	s23 =	sadd.s32 s1, s21;
	s26 =	sadd.s32 s3, s21;
	[dreg:$0x1d] =	wrdreg s17  }
0x23: {  	s4 =	ssub.s32 s4, s25;
	s29 =	sadd.s32 s1, s5;
	[dreg:$0x1e] =	wrdreg s19  }
0x24: {  	s25 =	sadd.s32 s3, s5;
	s21 =	simm.s32 $0x2;
	[dreg:$0x1f] =	wrdreg s20  }
0x25: {  	s12 =	sadd.s32 @!p0 $0xF4280, s8;
	s15 =	sadd.s32 @!p0 $0x1E8500, s8;
	[smem:$0x7F9] =	sst s23  }
0x26: {  	s24 =	sadd.s32 s3, s18;
	[smem:$0x7FB] =	sst s26;
	s31 =	smax.u32 s4, $0x1  }
0x27: {  	s28 =	sadd.s32 $0xF4200, s1;
	s30 =	sadd.s32 $0xF4200, s3;
	s7 =	sadd.s32 $0xFFFFFFFF, s31  }
0x28: {  	s10 =	sadd.s32 $0xF4000, s1;
	s14 =	simm.s32 $0x3C00;
	p3 =	sne.s32 s7, $0x0  }
.Ltmp0:
0x29: {  	s19 =	simm.s32 $0x7A1400;
	s20 =	simm.s32 $0xF000;
	(pc) =	sbr.rel @!p3 .LBB2_5-.Ltmp0, $4  }
0x2a: {  	s18 =	simm.s32 $0x1;
	s11 =	simm.s32 $0x3;
	[smem:$0x7FA] =	sst s24  }
0x2b: {  	s13 =	simm.s32 $0x4;
	s3 =	simm.s32 $0x7800;
	[smem:$0x7FC] =	sst s28  }
0x2c: {  	s4 =	simm.s32 $0xB400;
	[smem:$0x7FD] =	sst s30;
	s24 =	sadd.s32 @!p0 $0xF4280, s10  }
0x2d: {  	s16 =	sadd.s32 @!p0 $0x2DC780, s8;
	s23 =	sadd.s32 @!p0 $0x1E8500, s10;
	s17 =	sadd.s32 @!p0 $0x2DC780, s10  }
0x2e: {  	s0 =	rddreg [dreg:$0x3]  }
0x2f: {  	[tilespmem:s2], [sflag:$0x1] =	stream.strided.gather [hbm4b:s0+s14], $0xF000, s19, s14, $0x38;
	[tilespmem:$0x1F000] =	vst v63  }
0x30: {  	s1 =	rddreg [dreg:$0x4]  }
0x31: {  	[tilespmem:s20], [sflag:$0x2] =	stream.strided.gather [hbm4b:s1+s14], $0xF000, s19, s14, $0x38;
	[tilespmem:$0x1F000] =	vst v63  }
0x32: {  	_ =	swait.ge [sflag:s18], $0xF000  }
0x33: {  	[sflag:s18] =	ssyncset.done $0x0  }
0x34: {  	s1 =	rddreg [dreg:$0x5];
	[sflag:s18] =	ssyncadd.s32 $0xFFFF1000  }
0x35: {  	[hbm4b:s1+s14] =	stream.strided.scatter [tilespmem:s2], [sflag:$0x3], $0xF000, s19, s14, $0x38;
	[tilespmem:$0x1F000] =	vst v63  }
0x36: {  	_ =	swait.ge [sflag:s11], $0xF000  }
0x37: {  	[sflag:s11] =	ssyncset.done $0x0  }
0x38: {  	s5 =	rddreg [dreg:$0x6];
	[sflag:s11] =	ssyncadd.s32 $0xFFFF1000  }
0x39: {  	[tilespmem:s2], [sflag:$0x1] =	stream.strided.gather [hbm4b:s5+s14], $0xF000, s19, s14, $0x38;
	[tilespmem:$0x1F000] =	vst v63  }
0x3a: {  	_ =	swait.ge [sflag:s21], $0xF000  }
0x3b: {  	[sflag:s21] =	ssyncset.done $0x0  }
0x3c: {  	s6 =	rddreg [dreg:$0x7];
	[sflag:s21] =	ssyncadd.s32 $0xFFFF1000  }
0x3d: {  	[hbm4b:s6+s14] =	stream.strided.scatter [tilespmem:s20], [sflag:$0x4], $0xF000, s19, s14, $0x38;
	[tilespmem:$0x1F000] =	vst v63  }
0x3e: {  	_ =	swait.ge [sflag:s13], $0xF000  }
0x3f: {  	[sflag:s13] =	ssyncset.done $0x0  }
0x40: {  	s9 =	rddreg [dreg:$0x8];
	[sflag:s13] =	ssyncadd.s32 $0xFFFF1000  }
0x41: {  	[tilespmem:s20], [sflag:$0x2] =	stream.strided.gather [hbm4b:s9+s14], $0xF000, s19, s14, $0x38;
	[tilespmem:$0x1F000] =	vst v63  }
0x42: {  	_ =	swait.ge [sflag:s18], $0xF000  }
0x43: {  	[sflag:s18] =	ssyncset.done $0x0  }
0x44: {  	s22 =	rddreg [dreg:$0x9];
	[sflag:s18] =	ssyncadd.s32 $0xFFFF1000  }
0x45: {  	[hbm4b:s22+s14] =	stream.strided.scatter [tilespmem:s2], [sflag:$0x3], $0xF000, s19, s14, $0x38;
	[tilespmem:$0x1F000] =	vst v63  }
0x46: {  	_ =	swait.ge [sflag:s11], $0xF000  }
0x47: {  	[sflag:s11] =	ssyncset.done $0x0  }
0x48: {  	s26 =	rddreg [dreg:$0xa];
	[sflag:s11] =	ssyncadd.s32 $0xFFFF1000  }
0x49: {  	[tilespmem:s2], [sflag:$0x1] =	stream.strided.gather [hbm4b:s26+s14], $0xF000, s19, s14, $0x38;
	[tilespmem:$0x1F000] =	vst v63  }
0x4a: {  	_ =	swait.ge [sflag:s21], $0xF000  }
0x4b: {  	[sflag:s21] =	ssyncset.done $0x0  }
0x4c: {  	s1 =	rddreg [dreg:$0xb];
	[sflag:s21] =	ssyncadd.s32 $0xFFFF1000  }
0x4d: {  	[hbm4b:s1+s14] =	stream.strided.scatter [tilespmem:s20], [sflag:$0x4], $0xF000, s19, s14, $0x38;
	[tilespmem:$0x1F000] =	vst v63  }
0x4e: {  	_ =	swait.ge [sflag:s13], $0xF000  }
0x4f: {  	[sflag:s13] =	ssyncset.done $0x0  }
0x50: {  	s5 =	rddreg [dreg:$0xc];
	[sflag:s13] =	ssyncadd.s32 $0xFFFF1000  }
0x51: {  	[tilespmem:s20], [sflag:$0x2] =	stream.strided.gather [hbm4b:s5+s14], $0xF000, s19, s14, $0x38;
	[tilespmem:$0x1F000] =	vst v63  }
0x52: {  	_ =	swait.ge [sflag:s18], $0xF000  }
0x53: {  	[sflag:s18] =	ssyncset.done $0x0  }
0x54: {  	s6 =	rddreg [dreg:$0xd];
	[sflag:s18] =	ssyncadd.s32 $0xFFFF1000  }
0x55: {  	[hbm4b:s6+s14] =	stream.strided.scatter [tilespmem:s2], [sflag:$0x3], $0xF000, s19, s14, $0x38;
	[tilespmem:$0x1F000] =	vst v63  }
0x56: {  	_ =	swait.ge [sflag:s11], $0xF000  }
0x57: {  	[sflag:s11] =	ssyncset.done $0x0  }
0x58: {  	s9 =	rddreg [dreg:$0xe];
	[sflag:s11] =	ssyncadd.s32 $0xFFFF1000  }
0x59: {  	[tilespmem:s2], [sflag:$0x1] =	stream.strided.gather [hbm4b:s9+s14], $0xF000, s19, s14, $0x38;
	[tilespmem:$0x1F000] =	vst v63  }
0x5a: {  	_ =	swait.ge [sflag:s21], $0xF000  }
0x5b: {  	[sflag:s21] =	ssyncset.done $0x0  }
0x5c: {  	s22 =	rddreg [dreg:$0xf];
	[sflag:s21] =	ssyncadd.s32 $0xFFFF1000  }
0x5d: {  	[hbm4b:s22+s14] =	stream.strided.scatter [tilespmem:s20], [sflag:$0x4], $0xF000, s19, s14, $0x38;
	[tilespmem:$0x1F000] =	vst v63  }
0x5e: {  	_ =	swait.ge [sflag:s13], $0xF000  }
0x5f: {  	[sflag:s13] =	ssyncset.done $0x0  }
0x60: {  	s26 =	rddreg [dreg:$0x10];
	[sflag:s13] =	ssyncadd.s32 $0xFFFF1000  }
0x61: {  	[tilespmem:s20], [sflag:$0x2] =	stream.strided.gather [hbm4b:s26+s14], $0xF000, s19, s14, $0x38;
	[tilespmem:$0x1F000] =	vst v63  }
0x62: {  	_ =	swait.ge [sflag:s18], $0xF000  }
0x63: {  	[sflag:s18] =	ssyncset.done $0x0  }
0x64: {  	s1 =	rddreg [dreg:$0x11];
	[sflag:s18] =	ssyncadd.s32 $0xFFFF1000  }
0x65: {  	[hbm4b:s1+s14] =	stream.strided.scatter [tilespmem:s2], [sflag:$0x3], $0xF000, s19, s14, $0x38;
	[tilespmem:$0x1F000] =	vst v63  }
0x66: {  	_ =	swait.ge [sflag:s11], $0xF000  }
0x67: {  	[sflag:s11] =	ssyncset.done $0x0  }
0x68: {  	s5 =	rddreg [dreg:$0x12];
	[sflag:s11] =	ssyncadd.s32 $0xFFFF1000  }
0x69: {  	[tilespmem:s2], [sflag:$0x1] =	stream.strided.gather [hbm4b:s5+s14], $0xF000, s19, s14, $0x38;
	[tilespmem:$0x1F000] =	vst v63  }
0x6a: {  	_ =	swait.ge [sflag:s21], $0xF000  }
0x6b: {  	[sflag:s21] =	ssyncset.done $0x0  }
0x6c: {  	s6 =	rddreg [dreg:$0x13];
	[sflag:s21] =	ssyncadd.s32 $0xFFFF1000  }
0x6d: {  	[hbm4b:s6+s14] =	stream.strided.scatter [tilespmem:s20], [sflag:$0x4], $0xF000, s19, s14, $0x38;
	[tilespmem:$0x1F000] =	vst v63  }
0x6e: {  	_ =	swait.ge [sflag:s13], $0xF000  }
0x6f: {  	[sflag:s13] =	ssyncset.done $0x0  }
0x70: {  	s9 =	rddreg [dreg:$0x14];
	[sflag:s13] =	ssyncadd.s32 $0xFFFF1000  }
0x71: {  	[tilespmem:s20], [sflag:$0x2] =	stream.strided.gather [hbm4b:s9+s14], $0xF000, s19, s14, $0x38;
	[tilespmem:$0x1F000] =	vst v63  }
0x72: {  	_ =	swait.ge [sflag:s18], $0xF000  }
0x73: {  	[sflag:s18] =	ssyncset.done $0x0  }
0x74: {  	s22 =	rddreg [dreg:$0x15];
	[sflag:s18] =	ssyncadd.s32 $0xFFFF1000  }
0x75: {  	[hbm4b:s22+s14] =	stream.strided.scatter [tilespmem:s2], [sflag:$0x3], $0xF000, s19, s14, $0x38;
	[tilespmem:$0x1F000] =	vst v63  }
0x76: {  	_ =	swait.ge [sflag:s11], $0xF000  }
0x77: {  	[sflag:s11] =	ssyncset.done $0x0  }
0x78: {  	s26 =	rddreg [dreg:$0x16];
	[sflag:s11] =	ssyncadd.s32 $0xFFFF1000  }
0x79: {  	[tilespmem:s2], [sflag:$0x1] =	stream.strided.gather [hbm4b:s26+s14], $0xF000, s19, s14, $0x38;
	[tilespmem:$0x1F000] =	vst v63  }
0x7a: {  	_ =	swait.ge [sflag:s21], $0xF000  }
0x7b: {  	[sflag:s21] =	ssyncset.done $0x0  }
0x7c: {  	s1 =	rddreg [dreg:$0x17];
	[sflag:s21] =	ssyncadd.s32 $0xFFFF1000  }
0x7d: {  	[hbm4b:s1+s14] =	stream.strided.scatter [tilespmem:s20], [sflag:$0x4], $0xF000, s19, s14, $0x38;
	[tilespmem:$0x1F000] =	vst v63  }
0x7e: {  	_ =	swait.ge [sflag:s13], $0xF000  }
0x7f: {  	[sflag:s13] =	ssyncset.done $0x0  }
0x80: {  	s5 =	rddreg [dreg:$0x18];
	[sflag:s13] =	ssyncadd.s32 $0xFFFF1000  }
0x81: {  	[tilespmem:s20], [sflag:$0x2] =	stream.strided.gather [hbm4b:s5+s14], $0xF000, s19, s14, $0x38;
	[tilespmem:$0x1F000] =	vst v63  }
0x82: {  	_ =	swait.ge [sflag:s18], $0xF000  }
0x83: {  	[sflag:s18] =	ssyncset.done $0x0  }
0x84: {  	s6 =	rddreg [dreg:$0x19];
	[sflag:s18] =	ssyncadd.s32 $0xFFFF1000  }
0x85: {  	[hbm4b:s6+s14] =	stream.strided.scatter [tilespmem:s2], [sflag:$0x3], $0xF000, s19, s14, $0x38;
	[tilespmem:$0x1F000] =	vst v63  }
0x86: {  	_ =	swait.ge [sflag:s11], $0xF000  }
0x87: {  	[sflag:s11] =	ssyncset.done $0x0  }
0x88: {  	s9 =	rddreg [dreg:$0x1a];
	[sflag:s11] =	ssyncadd.s32 $0xFFFF1000  }
0x89: {  	[tilespmem:s2], [sflag:$0x1] =	stream.strided.gather [hbm4b:s9+s14], $0xF000, s19, s14, $0x38;
	[tilespmem:$0x1F000] =	vst v63  }
0x8a: {  	_ =	swait.ge [sflag:s21], $0xF000  }
0x8b: {  	[sflag:s21] =	ssyncset.done $0x0  }
0x8c: {  	s22 =	rddreg [dreg:$0x1b];
	[sflag:s21] =	ssyncadd.s32 $0xFFFF1000  }
0x8d: {  	[hbm4b:s22+s14] =	stream.strided.scatter [tilespmem:s20], [sflag:$0x4], $0xF000, s19, s14, $0x38;
	[tilespmem:$0x1F000] =	vst v63  }
0x8e: {  	_ =	swait.ge [sflag:s13], $0xF000  }
0x8f: {  	[sflag:s13] =	ssyncset.done $0x0  }
0x90: {  	s26 =	rddreg [dreg:$0x1c];
	[sflag:s13] =	ssyncadd.s32 $0xFFFF1000  }
0x91: {  	[tilespmem:s20], [sflag:$0x2] =	stream.strided.gather [hbm4b:s26+s14], $0xF000, s19, s14, $0x38;
	[tilespmem:$0x1F000] =	vst v63  }
0x92: {  	_ =	swait.ge [sflag:s18], $0xF000  }
0x93: {  	[sflag:s18] =	ssyncset.done $0x0  }
0x94: {  	s1 =	rddreg [dreg:$0x1d];
	[sflag:s18] =	ssyncadd.s32 $0xFFFF1000  }
0x95: {  	[hbm4b:s1+s14] =	stream.strided.scatter [tilespmem:s2], [sflag:$0x3], $0xF000, s19, s14, $0x38;
	[tilespmem:$0x1F000] =	vst v63  }
0x96: {  	_ =	swait.ge [sflag:s11], $0xF000  }
0x97: {  	[sflag:s11] =	ssyncset.done $0x0  }
0x98: {  	s5 =	rddreg [dreg:$0x1e];
	[sflag:s11] =	ssyncadd.s32 $0xFFFF1000  }
0x99: {  	[tilespmem:s2], [sflag:$0x1] =	stream.strided.gather [hbm4b:s5+s14], $0xF000, s19, s14, $0x38;
	[tilespmem:$0x1F000] =	vst v63  }
0x9a: {  	_ =	swait.ge [sflag:s21], $0xF000  }
0x9b: {  	[sflag:s21] =	ssyncset.done $0x0  }
0x9c: {  	s6 =	rddreg [dreg:$0x1f];
	[sflag:s21] =	ssyncadd.s32 $0xFFFF1000  }
0x9d: {  	[hbm4b:s6+s14] =	stream.strided.scatter [tilespmem:s20], [sflag:$0x4], $0xF000, s19, s14, $0x38;
	[tilespmem:$0x1F000] =	vst v63  }
0x9e: {  	_ =	swait.ge [sflag:s13], $0xF000  }
0x9f: {  	s9 =	sld [smem:$0x7F9]  }
0xa0: {  	[sflag:s13] =	ssyncset.done $0x0  }
0xa1: {  	[sflag:s13] =	ssyncadd.s32 $0xFFFF1000  }
0xa2: {  	[tilespmem:s20], [sflag:$0x2] =	stream.strided.gather [hbm4b:s9+s14], $0xF000, s19, s14, $0x38;
	[tilespmem:$0x1F000] =	vst v63  }
0xa3: {  	_ =	swait.ge [sflag:s18], $0xF000  }
0xa4: {  	s22 =	sld [smem:$0x7FA]  }
0xa5: {  	[sflag:s18] =	ssyncset.done $0x0  }
0xa6: {  	[sflag:s18] =	ssyncadd.s32 $0xFFFF1000  }
0xa7: {  	[hbm4b:s22+s14] =	stream.strided.scatter [tilespmem:s2], [sflag:$0x3], $0xF000, s19, s14, $0x38;
	[tilespmem:$0x1F000] =	vst v63  }
0xa8: {  	_ =	swait.ge [sflag:s11], $0xF000  }
0xa9: {  	[sflag:s11] =	ssyncset.done $0x0  }
0xaa: {  	s26 =	sadd.s32 $0xF4280, s29;
	[sflag:s11] =	ssyncadd.s32 $0xFFFF1000  }
0xab: {  	[tilespmem:s2], [sflag:$0x1] =	stream.linear.gather [hbm4b:s29+s2], $0x1000, $0x38;
	[tilespmem:$0x1F000] =	vst v63  }
0xac: {  	s1 =	sadd.s32 $0x1E8500, s29;
	[smem:$0x7F3] =	sst s26  }
0xad: {  	[tilespmem:s14], [sflag:$0x1] =	stream.linear.gather [hbm4b:s26+s2], $0x1000, $0x38;
	[tilespmem:$0x1F000] =	vst v63  }
0xae: {  	s5 =	sadd.s32 $0x2DC780, s29;
	[smem:$0x7F4] =	sst s1  }
0xaf: {  	[tilespmem:s3], [sflag:$0x1] =	stream.linear.gather [hbm4b:s1+s2], $0x1000, $0x38;
	[tilespmem:$0x1F000] =	vst v63  }
0xb0: {  	[smem:$0x7F5] =	sst s5  }
0xb1: {  	[tilespmem:s4], [sflag:$0x1] =	stream.linear.gather [hbm4b:s5+s2], $0x1000, $0x38;
	[tilespmem:$0x1F000] =	vst v63  }
0xb2: {  	_ =	swait.ge [sflag:s21], $0xF000  }
0xb3: {  	s6 =	sld [smem:$0x7FB]  }
0xb4: {  	[sflag:s21] =	ssyncset.done $0x0  }
0xb5: {  	[sflag:s21] =	ssyncadd.s32 $0xFFFF1000  }
0xb6: {  	[hbm4b:s6+s14] =	stream.strided.scatter [tilespmem:s20], [sflag:$0x4], $0xF000, s19, s14, $0x38;
	[tilespmem:$0x1F000] =	vst v63  }
0xb7: {  	_ =	swait.ge [sflag:s18], $0x4000  }
0xb8: {  	[sflag:s18] =	ssyncset.done $0x0  }
0xb9: {  	s9 =	sadd.s32 $0xF4280, s25;
	[sflag:s18] =	ssyncadd.s32 $0xFFFFC000  }
0xba: {  	[hbm4b:s25+s2] =	stream.linear.scatter [tilespmem:s2], [sflag:$0x3], $0x1000, $0x38;
	[tilespmem:$0x1F000] =	vst v63  }
0xbb: {  	s22 =	sadd.s32 $0x1E8500, s25;
	[smem:$0x7F6] =	sst s9  }
0xbc: {  	[hbm4b:s9+s2] =	stream.linear.scatter [tilespmem:s14], [sflag:$0x3], $0x1000, $0x38;
	[tilespmem:$0x1F000] =	vst v63  }
0xbd: {  	s26 =	sadd.s32 $0x2DC780, s25;
	[smem:$0x7F7] =	sst s22  }
0xbe: {  	[hbm4b:s22+s2] =	stream.linear.scatter [tilespmem:s3], [sflag:$0x3], $0x1000, $0x38;
	[tilespmem:$0x1F000] =	vst v63  }
0xbf: {  	[smem:$0x7F8] =	sst s26  }
0xc0: {  	[hbm4b:s26+s2] =	stream.linear.scatter [tilespmem:s4], [sflag:$0x3], $0x1000, $0x38;
	[tilespmem:$0x1F000] =	vst v63  }
0xc1: {  	_ =	swait.ge [sflag:s13], $0xF000  }
0xc2: {  	[sflag:s13] =	ssyncset.done $0x0  }
0xc3: {  	[sflag:s13] =	ssyncadd.s32 $0xFFFF1000  }
0xc4: {  	_ =	swait.ge [sflag:s11], $0x4000  }
0xc5: {  	s0 =	sld [smem:$0x7FC]  }
0xc6: {  	s30 =	simm.s32 @p1 $0x5;
	s31 =	simm.s32 @p1 $0x400;
	[sflag:s11] =	ssyncset.done $0x0  }
0xc7: {  	s1 =	simm.s32 @p1 $0x7A1400;
	s3 =	simm.s32 @p1 $0x1E000;
	[sflag:s11] =	ssyncadd.s32 $0xFFFFC000  }
0xc8: {  	[tilespmem:s3], [sflag:$0x5] =	stream.strided.gather @p1 [hbm4b:s0+s31], $0x1000, s1, s31, $0x38;
	[tilespmem:$0x1F000] =	vst v63  }
0xc9: {  	_ =	swait.ge @p1 [sflag:s30], $0x1000  }
0xca: {  	s0 =	sld [smem:$0x7FD]  }
0xcb: {  	[sflag:s30] =	ssyncset.done @p1 $0x0  }
0xcc: {  	[sflag:s30] =	ssyncadd.s32 @p1 $0xFFFFF000  }
0xcd: {  	[hbm4b:s0+s31] =	stream.strided.scatter @p1 [tilespmem:s3], [sflag:$0x5], $0x1000, s1, s31, $0x38;
	[tilespmem:$0x1F000] =	vst v63  }
0xce: {  	_ =	swait.ge @p1 [sflag:s30], $0x1000  }
0xcf: {  	[sflag:s30] =	ssyncset.done @p1 $0x0  }
0xd0: {  	s3 =	simm.s32 @!p0 $0x0;
	[sflag:s30] =	ssyncadd.s32 @p1 $0xFFFFF000  }
0xd1: {  	[tilespmem:s3], [sflag:$0x5] =	stream.linear.gather @!p0 [hbm4b:s10+s3], $0x1000, $0x38;
	[tilespmem:$0x1F000] =	vst v63  }
0xd2: {  	s4 =	simm.s32 @!p0 $0x3C00  }
0xd3: {  	[tilespmem:s4], [sflag:$0x5] =	stream.linear.gather @!p0 [hbm4b:s24+s3], $0x1000, $0x38;
	[tilespmem:$0x1F000] =	vst v63  }
0xd4: {  	s5 =	simm.s32 @!p0 $0x7800  }
0xd5: {  	[tilespmem:s5], [sflag:$0x5] =	stream.linear.gather @!p0 [hbm4b:s23+s3], $0x1000, $0x38;
	[tilespmem:$0x1F000] =	vst v63  }
0xd6: {  	s6 =	simm.s32 @!p0 $0xB400;
	s0 =	simm.s32 @!p0 $0x5  }
0xd7: {  	[tilespmem:s6], [sflag:$0x5] =	stream.linear.gather @!p0 [hbm4b:s17+s3], $0x1000, $0x38;
	[tilespmem:$0x1F000] =	vst v63  }
0xd8: {  	_ =	swait.ge @!p0 [sflag:s0], $0x4000  }
0xd9: {  	[sflag:s0] =	ssyncset.done @!p0 $0x0  }
0xda: {  	[sflag:s0] =	ssyncadd.s32 @!p0 $0xFFFFC000  }
0xdb: {  	[hbm4b:s8+s3] =	stream.linear.scatter @!p0 [tilespmem:s3], [sflag:$0x5], $0x1000, $0x38;
	[tilespmem:$0x1F000] =	vst v63  }
0xdc: {  	s7 =	sadd.s32 $0xFFFFFFFF, s7  }
0xdd: {  	[hbm4b:s12+s3] =	stream.linear.scatter @!p0 [tilespmem:s4], [sflag:$0x5], $0x1000, $0x38;
	[tilespmem:$0x1F000] =	vst v63  }
0xde: {  	p3 =	sne.s32 s7, $0x0  }
0xdf: {  	[hbm4b:s15+s3] =	stream.linear.scatter @!p0 [tilespmem:s5], [sflag:$0x5], $0x1000, $0x38;
	[tilespmem:$0x1F000] =	vst v63  }
.Ltmp1:
0xe0: {  	_ = 	snop;
	(pc) =	sbr.rel @!p3 .LBB2_2-.Ltmp1, $4  }
0xe1: {  	_ = 	snop  }
0xe2: {  	[hbm4b:s16+s3] =	stream.linear.scatter @!p0 [tilespmem:s6], [sflag:$0x5], $0x1000, $0x38;
	[tilespmem:$0x1F000] =	vst v63  }
0xe3: {  	s28 =	simm.s32 $0xB400;
	_ =	swait.ge @!p0 [sflag:s0], $0x4000  }
0xe4: {  	p2 =	por $0x1, $0x1;
	s26 =	simm.s32 $0x7800;
	[sflag:s0] =	ssyncset.done @!p0 $0x0  }
.LBB2_3:
0xe5: {  	s22 =	smov.u32 s17;
	s17 =	smov.u32 s16  }
0xe6: {  	s16 =	smov.u32 s15;
	s15 =	smov.u32 s12;
	s12 =	smov.u32 s10  }
0xe7: {  	s10 =	smov.u32 s8;
	s8 =	rddreg [dreg:$0x3];
	[sflag:s0] =	ssyncadd.s32 @!p0 $0xFFFFC000  }
0xe8: {  	[tilespmem:s2], [sflag:$0x1] =	stream.strided.gather [hbm4b:s8+s14], $0xF000, s19, s14, $0x38;
	[tilespmem:$0x1F000] =	vst v63  }
0xe9: {  	s9 =	rddreg [dreg:$0x4]  }
0xea: {  	[tilespmem:s20], [sflag:$0x2] =	stream.strided.gather [hbm4b:s9+s14], $0xF000, s19, s14, $0x38;
	[tilespmem:$0x1F000] =	vst v63  }
0xeb: {  	_ =	swait.ge [sflag:s18], $0xF000  }
0xec: {  	[sflag:s18] =	ssyncset.done $0x0  }
0xed: {  	s9 =	rddreg [dreg:$0x5];
	[sflag:s18] =	ssyncadd.s32 $0xFFFF1000  }
0xee: {  	[hbm4b:s9+s14] =	stream.strided.scatter [tilespmem:s2], [sflag:$0x3], $0xF000, s19, s14, $0x38;
	[tilespmem:$0x1F000] =	vst v63  }
0xef: {  	_ =	swait.ge [sflag:s11], $0xF000  }
0xf0: {  	[sflag:s11] =	ssyncset.done $0x0  }
0xf1: {  	s9 =	rddreg [dreg:$0x6];
	[sflag:s11] =	ssyncadd.s32 $0xFFFF1000  }
0xf2: {  	[tilespmem:s2], [sflag:$0x1] =	stream.strided.gather [hbm4b:s9+s14], $0xF000, s19, s14, $0x38;
	[tilespmem:$0x1F000] =	vst v63  }
0xf3: {  	_ =	swait.ge [sflag:s21], $0xF000  }
0xf4: {  	[sflag:s21] =	ssyncset.done $0x0  }
0xf5: {  	s9 =	rddreg [dreg:$0x7];
	[sflag:s21] =	ssyncadd.s32 $0xFFFF1000  }
0xf6: {  	[hbm4b:s9+s14] =	stream.strided.scatter [tilespmem:s20], [sflag:$0x4], $0xF000, s19, s14, $0x38;
	[tilespmem:$0x1F000] =	vst v63  }
0xf7: {  	_ =	swait.ge [sflag:s13], $0xF000  }
0xf8: {  	[sflag:s13] =	ssyncset.done $0x0  }
0xf9: {  	s9 =	rddreg [dreg:$0x8];
	[sflag:s13] =	ssyncadd.s32 $0xFFFF1000  }
0xfa: {  	[tilespmem:s20], [sflag:$0x2] =	stream.strided.gather [hbm4b:s9+s14], $0xF000, s19, s14, $0x38;
	[tilespmem:$0x1F000] =	vst v63  }
0xfb: {  	_ =	swait.ge [sflag:s18], $0xF000  }
0xfc: {  	[sflag:s18] =	ssyncset.done $0x0  }
0xfd: {  	s9 =	rddreg [dreg:$0x9];
	[sflag:s18] =	ssyncadd.s32 $0xFFFF1000  }
0xfe: {  	[hbm4b:s9+s14] =	stream.strided.scatter [tilespmem:s2], [sflag:$0x3], $0xF000, s19, s14, $0x38;
	[tilespmem:$0x1F000] =	vst v63  }
0xff: {  	_ =	swait.ge [sflag:s11], $0xF000  }
0x100: {  	[sflag:s11] =	ssyncset.done $0x0  }
0x101: {  	s9 =	rddreg [dreg:$0xa];
	[sflag:s11] =	ssyncadd.s32 $0xFFFF1000  }
0x102: {  	[tilespmem:s2], [sflag:$0x1] =	stream.strided.gather [hbm4b:s9+s14], $0xF000, s19, s14, $0x38;
	[tilespmem:$0x1F000] =	vst v63  }
0x103: {  	_ =	swait.ge [sflag:s21], $0xF000  }
0x104: {  	[sflag:s21] =	ssyncset.done $0x0  }
0x105: {  	s9 =	rddreg [dreg:$0xb];
	[sflag:s21] =	ssyncadd.s32 $0xFFFF1000  }
0x106: {  	[hbm4b:s9+s14] =	stream.strided.scatter [tilespmem:s20], [sflag:$0x4], $0xF000, s19, s14, $0x38;
	[tilespmem:$0x1F000] =	vst v63  }
0x107: {  	_ =	swait.ge [sflag:s13], $0xF000  }
0x108: {  	[sflag:s13] =	ssyncset.done $0x0  }
0x109: {  	s9 =	rddreg [dreg:$0xc];
	[sflag:s13] =	ssyncadd.s32 $0xFFFF1000  }
0x10a: {  	[tilespmem:s20], [sflag:$0x2] =	stream.strided.gather [hbm4b:s9+s14], $0xF000, s19, s14, $0x38;
	[tilespmem:$0x1F000] =	vst v63  }
0x10b: {  	_ =	swait.ge [sflag:s18], $0xF000  }
0x10c: {  	[sflag:s18] =	ssyncset.done $0x0  }
0x10d: {  	s9 =	rddreg [dreg:$0xd];
	[sflag:s18] =	ssyncadd.s32 $0xFFFF1000  }
0x10e: {  	[hbm4b:s9+s14] =	stream.strided.scatter [tilespmem:s2], [sflag:$0x3], $0xF000, s19, s14, $0x38;
	[tilespmem:$0x1F000] =	vst v63  }
0x10f: {  	_ =	swait.ge [sflag:s11], $0xF000  }
0x110: {  	[sflag:s11] =	ssyncset.done $0x0  }
0x111: {  	s9 =	rddreg [dreg:$0xe];
	[sflag:s11] =	ssyncadd.s32 $0xFFFF1000  }
0x112: {  	[tilespmem:s2], [sflag:$0x1] =	stream.strided.gather [hbm4b:s9+s14], $0xF000, s19, s14, $0x38;
	[tilespmem:$0x1F000] =	vst v63  }
0x113: {  	_ =	swait.ge [sflag:s21], $0xF000  }
0x114: {  	[sflag:s21] =	ssyncset.done $0x0  }
0x115: {  	s9 =	rddreg [dreg:$0xf];
	[sflag:s21] =	ssyncadd.s32 $0xFFFF1000  }
0x116: {  	[hbm4b:s9+s14] =	stream.strided.scatter [tilespmem:s20], [sflag:$0x4], $0xF000, s19, s14, $0x38;
	[tilespmem:$0x1F000] =	vst v63  }
0x117: {  	_ =	swait.ge [sflag:s13], $0xF000  }
0x118: {  	[sflag:s13] =	ssyncset.done $0x0  }
0x119: {  	s9 =	rddreg [dreg:$0x10];
	[sflag:s13] =	ssyncadd.s32 $0xFFFF1000  }
0x11a: {  	[tilespmem:s20], [sflag:$0x2] =	stream.strided.gather [hbm4b:s9+s14], $0xF000, s19, s14, $0x38;
	[tilespmem:$0x1F000] =	vst v63  }
0x11b: {  	_ =	swait.ge [sflag:s18], $0xF000  }
0x11c: {  	[sflag:s18] =	ssyncset.done $0x0  }
0x11d: {  	s9 =	rddreg [dreg:$0x11];
	[sflag:s18] =	ssyncadd.s32 $0xFFFF1000  }
0x11e: {  	[hbm4b:s9+s14] =	stream.strided.scatter [tilespmem:s2], [sflag:$0x3], $0xF000, s19, s14, $0x38;
	[tilespmem:$0x1F000] =	vst v63  }
0x11f: {  	_ =	swait.ge [sflag:s11], $0xF000  }
0x120: {  	[sflag:s11] =	ssyncset.done $0x0  }
0x121: {  	s9 =	rddreg [dreg:$0x12];
	[sflag:s11] =	ssyncadd.s32 $0xFFFF1000  }
0x122: {  	[tilespmem:s2], [sflag:$0x1] =	stream.strided.gather [hbm4b:s9+s14], $0xF000, s19, s14, $0x38;
	[tilespmem:$0x1F000] =	vst v63  }
0x123: {  	_ =	swait.ge [sflag:s21], $0xF000  }
0x124: {  	[sflag:s21] =	ssyncset.done $0x0  }
0x125: {  	s9 =	rddreg [dreg:$0x13];
	[sflag:s21] =	ssyncadd.s32 $0xFFFF1000  }
0x126: {  	[hbm4b:s9+s14] =	stream.strided.scatter [tilespmem:s20], [sflag:$0x4], $0xF000, s19, s14, $0x38;
	[tilespmem:$0x1F000] =	vst v63  }
0x127: {  	_ =	swait.ge [sflag:s13], $0xF000  }
0x128: {  	[sflag:s13] =	ssyncset.done $0x0  }
0x129: {  	s9 =	rddreg [dreg:$0x14];
	[sflag:s13] =	ssyncadd.s32 $0xFFFF1000  }
0x12a: {  	[tilespmem:s20], [sflag:$0x2] =	stream.strided.gather [hbm4b:s9+s14], $0xF000, s19, s14, $0x38;
	[tilespmem:$0x1F000] =	vst v63  }
0x12b: {  	_ =	swait.ge [sflag:s18], $0xF000  }
0x12c: {  	[sflag:s18] =	ssyncset.done $0x0  }
0x12d: {  	s9 =	rddreg [dreg:$0x15];
	[sflag:s18] =	ssyncadd.s32 $0xFFFF1000  }
0x12e: {  	[hbm4b:s9+s14] =	stream.strided.scatter [tilespmem:s2], [sflag:$0x3], $0xF000, s19, s14, $0x38;
	[tilespmem:$0x1F000] =	vst v63  }
0x12f: {  	_ =	swait.ge [sflag:s11], $0xF000  }
0x130: {  	[sflag:s11] =	ssyncset.done $0x0  }
0x131: {  	s9 =	rddreg [dreg:$0x16];
	[sflag:s11] =	ssyncadd.s32 $0xFFFF1000  }
0x132: {  	[tilespmem:s2], [sflag:$0x1] =	stream.strided.gather [hbm4b:s9+s14], $0xF000, s19, s14, $0x38;
	[tilespmem:$0x1F000] =	vst v63  }
0x133: {  	_ =	swait.ge [sflag:s21], $0xF000  }
0x134: {  	[sflag:s21] =	ssyncset.done $0x0  }
0x135: {  	s9 =	rddreg [dreg:$0x17];
	[sflag:s21] =	ssyncadd.s32 $0xFFFF1000  }
0x136: {  	[hbm4b:s9+s14] =	stream.strided.scatter [tilespmem:s20], [sflag:$0x4], $0xF000, s19, s14, $0x38;
	[tilespmem:$0x1F000] =	vst v63  }
0x137: {  	_ =	swait.ge [sflag:s13], $0xF000  }
0x138: {  	[sflag:s13] =	ssyncset.done $0x0  }
0x139: {  	s9 =	rddreg [dreg:$0x18];
	[sflag:s13] =	ssyncadd.s32 $0xFFFF1000  }
0x13a: {  	[tilespmem:s20], [sflag:$0x2] =	stream.strided.gather [hbm4b:s9+s14], $0xF000, s19, s14, $0x38;
	[tilespmem:$0x1F000] =	vst v63  }
0x13b: {  	_ =	swait.ge [sflag:s18], $0xF000  }
0x13c: {  	[sflag:s18] =	ssyncset.done $0x0  }
0x13d: {  	s9 =	rddreg [dreg:$0x19];
	[sflag:s18] =	ssyncadd.s32 $0xFFFF1000  }
0x13e: {  	[hbm4b:s9+s14] =	stream.strided.scatter [tilespmem:s2], [sflag:$0x3], $0xF000, s19, s14, $0x38;
	[tilespmem:$0x1F000] =	vst v63  }
0x13f: {  	_ =	swait.ge [sflag:s11], $0xF000  }
0x140: {  	[sflag:s11] =	ssyncset.done $0x0  }
0x141: {  	s9 =	rddreg [dreg:$0x1a];
	[sflag:s11] =	ssyncadd.s32 $0xFFFF1000  }
0x142: {  	[tilespmem:s2], [sflag:$0x1] =	stream.strided.gather [hbm4b:s9+s14], $0xF000, s19, s14, $0x38;
	[tilespmem:$0x1F000] =	vst v63  }
0x143: {  	_ =	swait.ge [sflag:s21], $0xF000  }
0x144: {  	[sflag:s21] =	ssyncset.done $0x0  }
0x145: {  	s9 =	rddreg [dreg:$0x1b];
	[sflag:s21] =	ssyncadd.s32 $0xFFFF1000  }
0x146: {  	[hbm4b:s9+s14] =	stream.strided.scatter [tilespmem:s20], [sflag:$0x4], $0xF000, s19, s14, $0x38;
	[tilespmem:$0x1F000] =	vst v63  }
0x147: {  	_ =	swait.ge [sflag:s13], $0xF000  }
0x148: {  	[sflag:s13] =	ssyncset.done $0x0  }
0x149: {  	s9 =	rddreg [dreg:$0x1c];
	[sflag:s13] =	ssyncadd.s32 $0xFFFF1000  }
0x14a: {  	[tilespmem:s20], [sflag:$0x2] =	stream.strided.gather [hbm4b:s9+s14], $0xF000, s19, s14, $0x38;
	[tilespmem:$0x1F000] =	vst v63  }
0x14b: {  	_ =	swait.ge [sflag:s18], $0xF000  }
0x14c: {  	[sflag:s18] =	ssyncset.done $0x0  }
0x14d: {  	s9 =	rddreg [dreg:$0x1d];
	[sflag:s18] =	ssyncadd.s32 $0xFFFF1000  }
0x14e: {  	[hbm4b:s9+s14] =	stream.strided.scatter [tilespmem:s2], [sflag:$0x3], $0xF000, s19, s14, $0x38;
	[tilespmem:$0x1F000] =	vst v63  }
0x14f: {  	_ =	swait.ge [sflag:s11], $0xF000  }
0x150: {  	[sflag:s11] =	ssyncset.done $0x0  }
0x151: {  	s9 =	rddreg [dreg:$0x1e];
	[sflag:s11] =	ssyncadd.s32 $0xFFFF1000  }
0x152: {  	[tilespmem:s2], [sflag:$0x1] =	stream.strided.gather [hbm4b:s9+s14], $0xF000, s19, s14, $0x38;
	[tilespmem:$0x1F000] =	vst v63  }
0x153: {  	_ =	swait.ge [sflag:s21], $0xF000  }
0x154: {  	[sflag:s21] =	ssyncset.done $0x0  }
0x155: {  	s9 =	rddreg [dreg:$0x1f];
	[sflag:s21] =	ssyncadd.s32 $0xFFFF1000  }
0x156: {  	[hbm4b:s9+s14] =	stream.strided.scatter [tilespmem:s20], [sflag:$0x4], $0xF000, s19, s14, $0x38;
	[tilespmem:$0x1F000] =	vst v63  }
0x157: {  	_ =	swait.ge [sflag:s13], $0xF000  }
0x158: {  	s9 =	sld [smem:$0x7F9]  }
0x159: {  	[sflag:s13] =	ssyncset.done $0x0  }
0x15a: {  	[sflag:s13] =	ssyncadd.s32 $0xFFFF1000  }
0x15b: {  	[tilespmem:s20], [sflag:$0x2] =	stream.strided.gather [hbm4b:s9+s14], $0xF000, s19, s14, $0x38;
	[tilespmem:$0x1F000] =	vst v63  }
0x15c: {  	_ =	swait.ge [sflag:s18], $0xF000  }
0x15d: {  	s9 =	sld [smem:$0x7FA]  }
0x15e: {  	[sflag:s18] =	ssyncset.done $0x0  }
0x15f: {  	[sflag:s18] =	ssyncadd.s32 $0xFFFF1000  }
0x160: {  	[hbm4b:s9+s14] =	stream.strided.scatter [tilespmem:s2], [sflag:$0x3], $0xF000, s19, s14, $0x38;
	[tilespmem:$0x1F000] =	vst v63  }
0x161: {  	_ =	swait.ge [sflag:s11], $0xF000  }
0x162: {  	[sflag:s11] =	ssyncset.done $0x0  }
0x163: {  	s9 =	sld [smem:$0x7F3];
	[sflag:s11] =	ssyncadd.s32 $0xFFFF1000  }
0x164: {  	[tilespmem:s2], [sflag:$0x1] =	stream.linear.gather [hbm4b:s29+s2], $0x1000, $0x38;
	[tilespmem:$0x1F000] =	vst v63  }
0x165: {  	_ = 	snop  }
0x166: {  	[tilespmem:s14], [sflag:$0x1] =	stream.linear.gather [hbm4b:s9+s2], $0x1000, $0x38;
	[tilespmem:$0x1F000] =	vst v63  }
0x167: {  	s9 =	sld [smem:$0x7F4];
	_ =	sdelay $0x2  }
0x168: {  	[tilespmem:s26], [sflag:$0x1] =	stream.linear.gather [hbm4b:s9+s2], $0x1000, $0x38;
	[tilespmem:$0x1F000] =	vst v63  }
0x169: {  	s9 =	sld [smem:$0x7F5];
	_ =	sdelay $0x2  }
0x16a: {  	[tilespmem:s28], [sflag:$0x1] =	stream.linear.gather [hbm4b:s9+s2], $0x1000, $0x38;
	[tilespmem:$0x1F000] =	vst v63  }
0x16b: {  	_ =	swait.ge [sflag:s21], $0xF000  }
0x16c: {  	s9 =	sld [smem:$0x7FB]  }
0x16d: {  	[sflag:s21] =	ssyncset.done $0x0  }
0x16e: {  	[sflag:s21] =	ssyncadd.s32 $0xFFFF1000  }
0x16f: {  	[hbm4b:s9+s14] =	stream.strided.scatter [tilespmem:s20], [sflag:$0x4], $0xF000, s19, s14, $0x38;
	[tilespmem:$0x1F000] =	vst v63  }
0x170: {  	_ =	swait.ge [sflag:s18], $0x4000  }
0x171: {  	[sflag:s18] =	ssyncset.done $0x0  }
0x172: {  	s9 =	sld [smem:$0x7F6];
	[sflag:s18] =	ssyncadd.s32 $0xFFFFC000  }
0x173: {  	[hbm4b:s25+s2] =	stream.linear.scatter [tilespmem:s2], [sflag:$0x3], $0x1000, $0x38;
	[tilespmem:$0x1F000] =	vst v63  }
0x174: {  	_ = 	snop  }
0x175: {  	[hbm4b:s9+s2] =	stream.linear.scatter [tilespmem:s14], [sflag:$0x3], $0x1000, $0x38;
	[tilespmem:$0x1F000] =	vst v63  }
0x176: {  	s9 =	sld [smem:$0x7F7];
	_ =	sdelay $0x2  }
0x177: {  	[hbm4b:s9+s2] =	stream.linear.scatter [tilespmem:s26], [sflag:$0x3], $0x1000, $0x38;
	[tilespmem:$0x1F000] =	vst v63  }
0x178: {  	s9 =	sld [smem:$0x7F8];
	_ =	sdelay $0x2  }
0x179: {  	[hbm4b:s9+s2] =	stream.linear.scatter [tilespmem:s28], [sflag:$0x3], $0x1000, $0x38;
	[tilespmem:$0x1F000] =	vst v63  }
0x17a: {  	_ =	swait.ge [sflag:s13], $0xF000  }
0x17b: {  	[sflag:s13] =	ssyncset.done $0x0  }
0x17c: {  	[sflag:s13] =	ssyncadd.s32 $0xFFFF1000  }
0x17d: {  	_ =	swait.ge [sflag:s11], $0x4000  }
0x17e: {  	s8 =	sld [smem:$0x7FC]  }
0x17f: {  	[sflag:s11] =	ssyncset.done $0x0  }
0x180: {  	s9 =	simm.s32 @p1 $0x1E000;
	[sflag:s11] =	ssyncadd.s32 $0xFFFFC000  }
0x181: {  	[tilespmem:s9], [sflag:$0x5] =	stream.strided.gather @p1 [hbm4b:s8+s31], $0x1000, s1, s31, $0x38;
	[tilespmem:$0x1F000] =	vst v63  }
0x182: {  	_ =	swait.ge @p1 [sflag:s30], $0x1000  }
0x183: {  	s8 =	sld [smem:$0x7FD]  }
0x184: {  	[sflag:s30] =	ssyncset.done @p1 $0x0  }
0x185: {  	[sflag:s30] =	ssyncadd.s32 @p1 $0xFFFFF000  }
0x186: {  	[hbm4b:s8+s31] =	stream.strided.scatter @p1 [tilespmem:s9], [sflag:$0x5], $0x1000, s1, s31, $0x38;
	[tilespmem:$0x1F000] =	vst v63  }
0x187: {  	_ =	swait.ge @p1 [sflag:s30], $0x1000  }
0x188: {  	[sflag:s30] =	ssyncset.done @p1 $0x0  }
0x189: {  	s8 =	smov.u32 s10;
	s10 =	smov.u32 s12;
	[sflag:s30] =	ssyncadd.s32 @p1 $0xFFFFF000  }
0x18a: {  	[tilespmem:s3], [sflag:$0x5] =	stream.linear.gather @!p0 [hbm4b:s10+s3], $0x1000, $0x38;
	[tilespmem:$0x1F000] =	vst v63  }
0x18b: {  	_ = 	snop  }
0x18c: {  	[tilespmem:s4], [sflag:$0x5] =	stream.linear.gather @!p0 [hbm4b:s24+s3], $0x1000, $0x38;
	[tilespmem:$0x1F000] =	vst v63  }
0x18d: {  	_ = 	snop  }
0x18e: {  	[tilespmem:s5], [sflag:$0x5] =	stream.linear.gather @!p0 [hbm4b:s23+s3], $0x1000, $0x38;
	[tilespmem:$0x1F000] =	vst v63  }
0x18f: {  	_ = 	snop  }
0x190: {  	[tilespmem:s6], [sflag:$0x5] =	stream.linear.gather @!p0 [hbm4b:s22+s3], $0x1000, $0x38;
	[tilespmem:$0x1F000] =	vst v63  }
0x191: {  	_ =	swait.ge @!p0 [sflag:s0], $0x4000  }
0x192: {  	[sflag:s0] =	ssyncset.done @!p0 $0x0  }
0x193: {  	[sflag:s0] =	ssyncadd.s32 @!p0 $0xFFFFC000  }
0x194: {  	[hbm4b:s8+s3] =	stream.linear.scatter @!p0 [tilespmem:s3], [sflag:$0x5], $0x1000, $0x38;
	[tilespmem:$0x1F000] =	vst v63  }
0x195: {  	s7 =	sadd.s32 $0xFFFFFFFF, s7;
	s12 =	smov.u32 s15  }
0x196: {  	[hbm4b:s12+s3] =	stream.linear.scatter @!p0 [tilespmem:s4], [sflag:$0x5], $0x1000, $0x38;
	[tilespmem:$0x1F000] =	vst v63  }
0x197: {  	p3 =	sne.s32 s7, $0x0;
	s15 =	smov.u32 s16  }
0x198: {  	[hbm4b:s15+s3] =	stream.linear.scatter @!p0 [tilespmem:s5], [sflag:$0x5], $0x1000, $0x38;
	[tilespmem:$0x1F000] =	vst v63  }
.Ltmp2:
0x199: {  	_ = 	snop;
	(pc) =	sbr.rel @p3 .LBB2_3-.Ltmp2, $4  }
0x19a: {  	s16 =	smov.u32 s17  }
0x19b: {  	[hbm4b:s16+s3] =	stream.linear.scatter @!p0 [tilespmem:s6], [sflag:$0x5], $0x1000, $0x38;
	[tilespmem:$0x1F000] =	vst v63  }
0x19c: {  	_ =	swait.ge @!p0 [sflag:s0], $0x4000  }
0x19d: {  	s17 =	smov.u32 s22;
	[sflag:s0] =	ssyncset.done @!p0 $0x0  }
0x19e: {  	s9 =	stileid.u32  }
0x19f: {  	s22 =	rddreg [dreg:$0x2];
	s3 =	simm.s32 $0x7800;
	s4 =	simm.s32 $0xB400  }
.LBB2_5:
0x1a0: {  	p2 =	por p0, !p2  }
0x1a1: {  	s1 =	rddreg [dreg:$0x3];
	[sflag:s0] =	ssyncadd.s32 @!p2 $0xFFFFC000  }
0x1a2: {  	[tilespmem:s2], [sflag:$0x1] =	stream.strided.gather [hbm4b:s1+s14], $0xF000, s19, s14, $0x38;
	[tilespmem:$0x1F000] =	vst v63  }
0x1a3: {  	s26 =	rddreg [dreg:$0x4]  }
0x1a4: {  	[tilespmem:s20], [sflag:$0x2] =	stream.strided.gather [hbm4b:s26+s14], $0xF000, s19, s14, $0x38;
	[tilespmem:$0x1F000] =	vst v63  }
0x1a5: {  	_ =	swait.ge [sflag:s18], $0xF000  }
0x1a6: {  	[sflag:s18] =	ssyncset.done $0x0  }
0x1a7: {  	s28 =	rddreg [dreg:$0x5];
	[sflag:s18] =	ssyncadd.s32 $0xFFFF1000  }
0x1a8: {  	[hbm4b:s28+s14] =	stream.strided.scatter [tilespmem:s2], [sflag:$0x3], $0xF000, s19, s14, $0x38;
	[tilespmem:$0x1F000] =	vst v63  }
0x1a9: {  	_ =	swait.ge [sflag:s11], $0xF000  }
0x1aa: {  	[sflag:s11] =	ssyncset.done $0x0  }
0x1ab: {  	s30 =	rddreg [dreg:$0x6];
	[sflag:s11] =	ssyncadd.s32 $0xFFFF1000  }
0x1ac: {  	[tilespmem:s2], [sflag:$0x1] =	stream.strided.gather [hbm4b:s30+s14], $0xF000, s19, s14, $0x38;
	[tilespmem:$0x1F000] =	vst v63  }
0x1ad: {  	_ =	swait.ge [sflag:s21], $0xF000  }
0x1ae: {  	[sflag:s21] =	ssyncset.done $0x0  }
0x1af: {  	s31 =	rddreg [dreg:$0x7];
	[sflag:s21] =	ssyncadd.s32 $0xFFFF1000  }
0x1b0: {  	[hbm4b:s31+s14] =	stream.strided.scatter [tilespmem:s20], [sflag:$0x4], $0xF000, s19, s14, $0x38;
	[tilespmem:$0x1F000] =	vst v63  }
0x1b1: {  	_ =	swait.ge [sflag:s13], $0xF000  }
0x1b2: {  	[sflag:s13] =	ssyncset.done $0x0  }
0x1b3: {  	s1 =	rddreg [dreg:$0x8];
	[sflag:s13] =	ssyncadd.s32 $0xFFFF1000  }
0x1b4: {  	[tilespmem:s20], [sflag:$0x2] =	stream.strided.gather [hbm4b:s1+s14], $0xF000, s19, s14, $0x38;
	[tilespmem:$0x1F000] =	vst v63  }
0x1b5: {  	_ =	swait.ge [sflag:s18], $0xF000  }
0x1b6: {  	[sflag:s18] =	ssyncset.done $0x0  }
0x1b7: {  	s5 =	rddreg [dreg:$0x9];
	[sflag:s18] =	ssyncadd.s32 $0xFFFF1000  }
0x1b8: {  	[hbm4b:s5+s14] =	stream.strided.scatter [tilespmem:s2], [sflag:$0x3], $0xF000, s19, s14, $0x38;
	[tilespmem:$0x1F000] =	vst v63  }
0x1b9: {  	_ =	swait.ge [sflag:s11], $0xF000  }
0x1ba: {  	[sflag:s11] =	ssyncset.done $0x0  }
0x1bb: {  	s6 =	rddreg [dreg:$0xa];
	[sflag:s11] =	ssyncadd.s32 $0xFFFF1000  }
0x1bc: {  	[tilespmem:s2], [sflag:$0x1] =	stream.strided.gather [hbm4b:s6+s14], $0xF000, s19, s14, $0x38;
	[tilespmem:$0x1F000] =	vst v63  }
0x1bd: {  	_ =	swait.ge [sflag:s21], $0xF000  }
0x1be: {  	[sflag:s21] =	ssyncset.done $0x0  }
0x1bf: {  	s7 =	rddreg [dreg:$0xb];
	[sflag:s21] =	ssyncadd.s32 $0xFFFF1000  }
0x1c0: {  	[hbm4b:s7+s14] =	stream.strided.scatter [tilespmem:s20], [sflag:$0x4], $0xF000, s19, s14, $0x38;
	[tilespmem:$0x1F000] =	vst v63  }
0x1c1: {  	_ =	swait.ge [sflag:s13], $0xF000  }
0x1c2: {  	[sflag:s13] =	ssyncset.done $0x0  }
0x1c3: {  	s26 =	rddreg [dreg:$0xc];
	[sflag:s13] =	ssyncadd.s32 $0xFFFF1000  }
0x1c4: {  	[tilespmem:s20], [sflag:$0x2] =	stream.strided.gather [hbm4b:s26+s14], $0xF000, s19, s14, $0x38;
	[tilespmem:$0x1F000] =	vst v63  }
0x1c5: {  	_ =	swait.ge [sflag:s18], $0xF000  }
0x1c6: {  	[sflag:s18] =	ssyncset.done $0x0  }
0x1c7: {  	s28 =	rddreg [dreg:$0xd];
	[sflag:s18] =	ssyncadd.s32 $0xFFFF1000  }
0x1c8: {  	[hbm4b:s28+s14] =	stream.strided.scatter [tilespmem:s2], [sflag:$0x3], $0xF000, s19, s14, $0x38;
	[tilespmem:$0x1F000] =	vst v63  }
0x1c9: {  	_ =	swait.ge [sflag:s11], $0xF000  }
0x1ca: {  	[sflag:s11] =	ssyncset.done $0x0  }
0x1cb: {  	s30 =	rddreg [dreg:$0xe];
	[sflag:s11] =	ssyncadd.s32 $0xFFFF1000  }
0x1cc: {  	[tilespmem:s2], [sflag:$0x1] =	stream.strided.gather [hbm4b:s30+s14], $0xF000, s19, s14, $0x38;
	[tilespmem:$0x1F000] =	vst v63  }
0x1cd: {  	_ =	swait.ge [sflag:s21], $0xF000  }
0x1ce: {  	[sflag:s21] =	ssyncset.done $0x0  }
0x1cf: {  	s31 =	rddreg [dreg:$0xf];
	[sflag:s21] =	ssyncadd.s32 $0xFFFF1000  }
0x1d0: {  	[hbm4b:s31+s14] =	stream.strided.scatter [tilespmem:s20], [sflag:$0x4], $0xF000, s19, s14, $0x38;
	[tilespmem:$0x1F000] =	vst v63  }
0x1d1: {  	_ =	swait.ge [sflag:s13], $0xF000  }
0x1d2: {  	[sflag:s13] =	ssyncset.done $0x0  }
0x1d3: {  	s1 =	rddreg [dreg:$0x10];
	[sflag:s13] =	ssyncadd.s32 $0xFFFF1000  }
0x1d4: {  	[tilespmem:s20], [sflag:$0x2] =	stream.strided.gather [hbm4b:s1+s14], $0xF000, s19, s14, $0x38;
	[tilespmem:$0x1F000] =	vst v63  }
0x1d5: {  	_ =	swait.ge [sflag:s18], $0xF000  }
0x1d6: {  	[sflag:s18] =	ssyncset.done $0x0  }
0x1d7: {  	s5 =	rddreg [dreg:$0x11];
	[sflag:s18] =	ssyncadd.s32 $0xFFFF1000  }
0x1d8: {  	[hbm4b:s5+s14] =	stream.strided.scatter [tilespmem:s2], [sflag:$0x3], $0xF000, s19, s14, $0x38;
	[tilespmem:$0x1F000] =	vst v63  }
0x1d9: {  	_ =	swait.ge [sflag:s11], $0xF000  }
0x1da: {  	[sflag:s11] =	ssyncset.done $0x0  }
0x1db: {  	s6 =	rddreg [dreg:$0x12];
	[sflag:s11] =	ssyncadd.s32 $0xFFFF1000  }
0x1dc: {  	[tilespmem:s2], [sflag:$0x1] =	stream.strided.gather [hbm4b:s6+s14], $0xF000, s19, s14, $0x38;
	[tilespmem:$0x1F000] =	vst v63  }
0x1dd: {  	_ =	swait.ge [sflag:s21], $0xF000  }
0x1de: {  	[sflag:s21] =	ssyncset.done $0x0  }
0x1df: {  	s7 =	rddreg [dreg:$0x13];
	[sflag:s21] =	ssyncadd.s32 $0xFFFF1000  }
0x1e0: {  	[hbm4b:s7+s14] =	stream.strided.scatter [tilespmem:s20], [sflag:$0x4], $0xF000, s19, s14, $0x38;
	[tilespmem:$0x1F000] =	vst v63  }
0x1e1: {  	_ =	swait.ge [sflag:s13], $0xF000  }
0x1e2: {  	[sflag:s13] =	ssyncset.done $0x0  }
0x1e3: {  	s26 =	rddreg [dreg:$0x14];
	[sflag:s13] =	ssyncadd.s32 $0xFFFF1000  }
0x1e4: {  	[tilespmem:s20], [sflag:$0x2] =	stream.strided.gather [hbm4b:s26+s14], $0xF000, s19, s14, $0x38;
	[tilespmem:$0x1F000] =	vst v63  }
0x1e5: {  	_ =	swait.ge [sflag:s18], $0xF000  }
0x1e6: {  	[sflag:s18] =	ssyncset.done $0x0  }
0x1e7: {  	s28 =	rddreg [dreg:$0x15];
	[sflag:s18] =	ssyncadd.s32 $0xFFFF1000  }
0x1e8: {  	[hbm4b:s28+s14] =	stream.strided.scatter [tilespmem:s2], [sflag:$0x3], $0xF000, s19, s14, $0x38;
	[tilespmem:$0x1F000] =	vst v63  }
0x1e9: {  	_ =	swait.ge [sflag:s11], $0xF000  }
0x1ea: {  	[sflag:s11] =	ssyncset.done $0x0  }
0x1eb: {  	s30 =	rddreg [dreg:$0x16];
	[sflag:s11] =	ssyncadd.s32 $0xFFFF1000  }
0x1ec: {  	[tilespmem:s2], [sflag:$0x1] =	stream.strided.gather [hbm4b:s30+s14], $0xF000, s19, s14, $0x38;
	[tilespmem:$0x1F000] =	vst v63  }
0x1ed: {  	_ =	swait.ge [sflag:s21], $0xF000  }
0x1ee: {  	[sflag:s21] =	ssyncset.done $0x0  }
0x1ef: {  	s31 =	rddreg [dreg:$0x17];
	[sflag:s21] =	ssyncadd.s32 $0xFFFF1000  }
0x1f0: {  	[hbm4b:s31+s14] =	stream.strided.scatter [tilespmem:s20], [sflag:$0x4], $0xF000, s19, s14, $0x38;
	[tilespmem:$0x1F000] =	vst v63  }
0x1f1: {  	_ =	swait.ge [sflag:s13], $0xF000  }
0x1f2: {  	[sflag:s13] =	ssyncset.done $0x0  }
0x1f3: {  	s1 =	rddreg [dreg:$0x18];
	[sflag:s13] =	ssyncadd.s32 $0xFFFF1000  }
0x1f4: {  	[tilespmem:s20], [sflag:$0x2] =	stream.strided.gather [hbm4b:s1+s14], $0xF000, s19, s14, $0x38;
	[tilespmem:$0x1F000] =	vst v63  }
0x1f5: {  	_ =	swait.ge [sflag:s18], $0xF000  }
0x1f6: {  	[sflag:s18] =	ssyncset.done $0x0  }
0x1f7: {  	s5 =	rddreg [dreg:$0x19];
	[sflag:s18] =	ssyncadd.s32 $0xFFFF1000  }
0x1f8: {  	[hbm4b:s5+s14] =	stream.strided.scatter [tilespmem:s2], [sflag:$0x3], $0xF000, s19, s14, $0x38;
	[tilespmem:$0x1F000] =	vst v63  }
0x1f9: {  	_ =	swait.ge [sflag:s11], $0xF000  }
0x1fa: {  	[sflag:s11] =	ssyncset.done $0x0  }
0x1fb: {  	s6 =	rddreg [dreg:$0x1a];
	[sflag:s11] =	ssyncadd.s32 $0xFFFF1000  }
0x1fc: {  	[tilespmem:s2], [sflag:$0x1] =	stream.strided.gather [hbm4b:s6+s14], $0xF000, s19, s14, $0x38;
	[tilespmem:$0x1F000] =	vst v63  }
0x1fd: {  	_ =	swait.ge [sflag:s21], $0xF000  }
0x1fe: {  	[sflag:s21] =	ssyncset.done $0x0  }
0x1ff: {  	s7 =	rddreg [dreg:$0x1b];
	[sflag:s21] =	ssyncadd.s32 $0xFFFF1000  }
0x200: {  	[hbm4b:s7+s14] =	stream.strided.scatter [tilespmem:s20], [sflag:$0x4], $0xF000, s19, s14, $0x38;
	[tilespmem:$0x1F000] =	vst v63  }
0x201: {  	_ =	swait.ge [sflag:s13], $0xF000  }
0x202: {  	[sflag:s13] =	ssyncset.done $0x0  }
0x203: {  	s26 =	rddreg [dreg:$0x1c];
	[sflag:s13] =	ssyncadd.s32 $0xFFFF1000  }
0x204: {  	[tilespmem:s20], [sflag:$0x2] =	stream.strided.gather [hbm4b:s26+s14], $0xF000, s19, s14, $0x38;
	[tilespmem:$0x1F000] =	vst v63  }
0x205: {  	_ =	swait.ge [sflag:s18], $0xF000  }
0x206: {  	[sflag:s18] =	ssyncset.done $0x0  }
0x207: {  	s28 =	rddreg [dreg:$0x1d];
	[sflag:s18] =	ssyncadd.s32 $0xFFFF1000  }
0x208: {  	[hbm4b:s28+s14] =	stream.strided.scatter [tilespmem:s2], [sflag:$0x3], $0xF000, s19, s14, $0x38;
	[tilespmem:$0x1F000] =	vst v63  }
0x209: {  	_ =	swait.ge [sflag:s11], $0xF000  }
0x20a: {  	[sflag:s11] =	ssyncset.done $0x0  }
0x20b: {  	s30 =	rddreg [dreg:$0x1e];
	[sflag:s11] =	ssyncadd.s32 $0xFFFF1000  }
0x20c: {  	[tilespmem:s2], [sflag:$0x1] =	stream.strided.gather [hbm4b:s30+s14], $0xF000, s19, s14, $0x38;
	[tilespmem:$0x1F000] =	vst v63  }
0x20d: {  	_ =	swait.ge [sflag:s21], $0xF000  }
0x20e: {  	[sflag:s21] =	ssyncset.done $0x0  }
0x20f: {  	s31 =	rddreg [dreg:$0x1f];
	[sflag:s21] =	ssyncadd.s32 $0xFFFF1000  }
0x210: {  	[hbm4b:s31+s14] =	stream.strided.scatter [tilespmem:s20], [sflag:$0x4], $0xF000, s19, s14, $0x38;
	[tilespmem:$0x1F000] =	vst v63  }
0x211: {  	_ =	swait.ge [sflag:s13], $0xF000  }
0x212: {  	s1 =	sld [smem:$0x7F9]  }
0x213: {  	[sflag:s13] =	ssyncset.done $0x0  }
0x214: {  	[sflag:s13] =	ssyncadd.s32 $0xFFFF1000  }
0x215: {  	[tilespmem:s20], [sflag:$0x2] =	stream.strided.gather [hbm4b:s1+s14], $0xF000, s19, s14, $0x38;
	[tilespmem:$0x1F000] =	vst v63  }
0x216: {  	_ =	swait.ge [sflag:s18], $0xF000  }
0x217: {  	s5 =	sld [smem:$0x7FA]  }
0x218: {  	[sflag:s18] =	ssyncset.done $0x0  }
0x219: {  	[sflag:s18] =	ssyncadd.s32 $0xFFFF1000  }
0x21a: {  	[hbm4b:s5+s14] =	stream.strided.scatter [tilespmem:s2], [sflag:$0x3], $0xF000, s19, s14, $0x38;
	[tilespmem:$0x1F000] =	vst v63  }
0x21b: {  	_ =	swait.ge [sflag:s11], $0xF000  }
0x21c: {  	[sflag:s11] =	ssyncset.done $0x0  }
0x21d: {  	[sflag:s11] =	ssyncadd.s32 $0xFFFF1000  }
0x21e: {  	[tilespmem:s2], [sflag:$0x1] =	stream.linear.gather [hbm4b:s29+s2], $0x1000, $0x38;
	[tilespmem:$0x1F000] =	vst v63  }
0x21f: {  	s6 =	sadd.s32 $0xF4280, s29  }
0x220: {  	[tilespmem:s14], [sflag:$0x1] =	stream.linear.gather [hbm4b:s6+s2], $0x1000, $0x38;
	[tilespmem:$0x1F000] =	vst v63  }
0x221: {  	s7 =	sadd.s32 $0x1E8500, s29  }
0x222: {  	[tilespmem:s3], [sflag:$0x1] =	stream.linear.gather [hbm4b:s7+s2], $0x1000, $0x38;
	[tilespmem:$0x1F000] =	vst v63  }
0x223: {  	s26 =	sadd.s32 $0x2DC780, s29  }
0x224: {  	[tilespmem:s4], [sflag:$0x1] =	stream.linear.gather [hbm4b:s26+s2], $0x1000, $0x38;
	[tilespmem:$0x1F000] =	vst v63  }
0x225: {  	_ =	swait.ge [sflag:s21], $0xF000  }
0x226: {  	s28 =	sld [smem:$0x7FB]  }
0x227: {  	[sflag:s21] =	ssyncset.done $0x0  }
0x228: {  	[sflag:s21] =	ssyncadd.s32 $0xFFFF1000  }
0x229: {  	[hbm4b:s28+s14] =	stream.strided.scatter [tilespmem:s20], [sflag:$0x4], $0xF000, s19, s14, $0x38;
	[tilespmem:$0x1F000] =	vst v63  }
0x22a: {  	_ =	swait.ge [sflag:s18], $0x4000  }
0x22b: {  	[sflag:s18] =	ssyncset.done $0x0  }
0x22c: {  	[sflag:s18] =	ssyncadd.s32 $0xFFFFC000  }
0x22d: {  	[hbm4b:s25+s2] =	stream.linear.scatter [tilespmem:s2], [sflag:$0x3], $0x1000, $0x38;
	[tilespmem:$0x1F000] =	vst v63  }
0x22e: {  	s29 =	sadd.s32 $0xF4280, s25  }
0x22f: {  	[hbm4b:s29+s2] =	stream.linear.scatter [tilespmem:s14], [sflag:$0x3], $0x1000, $0x38;
	[tilespmem:$0x1F000] =	vst v63  }
0x230: {  	s30 =	sadd.s32 $0x1E8500, s25  }
0x231: {  	[hbm4b:s30+s2] =	stream.linear.scatter [tilespmem:s3], [sflag:$0x3], $0x1000, $0x38;
	[tilespmem:$0x1F000] =	vst v63  }
0x232: {  	s31 =	sadd.s32 $0x2DC780, s25  }
0x233: {  	[hbm4b:s31+s2] =	stream.linear.scatter [tilespmem:s4], [sflag:$0x3], $0x1000, $0x38;
	[tilespmem:$0x1F000] =	vst v63  }
0x234: {  	_ =	swait.ge [sflag:s13], $0xF000  }
0x235: {  	[sflag:s13] =	ssyncset.done $0x0  }
0x236: {  	[sflag:s13] =	ssyncadd.s32 $0xFFFF1000  }
0x237: {  	_ =	swait.ge [sflag:s11], $0x4000  }
0x238: {  	s0 =	sld [smem:$0x7FC]  }
0x239: {  	s1 =	simm.s32 @p1 $0x1E000;
	s3 =	simm.s32 @p1 $0x400;
	[sflag:s11] =	ssyncset.done $0x0  }
0x23a: {  	s2 =	simm.s32 @p1 $0x5;
	s4 =	simm.s32 @p1 $0x7A1400;
	[sflag:s11] =	ssyncadd.s32 $0xFFFFC000  }
0x23b: {  	[tilespmem:s1], [sflag:$0x5] =	stream.strided.gather @p1 [hbm4b:s0+s3], $0x1000, s4, s3, $0x38;
	[tilespmem:$0x1F000] =	vst v63  }
0x23c: {  	_ =	swait.ge @p1 [sflag:s2], $0x1000  }
0x23d: {  	s0 =	sld [smem:$0x7FD]  }
0x23e: {  	[sflag:s2] =	ssyncset.done @p1 $0x0  }
0x23f: {  	[sflag:s2] =	ssyncadd.s32 @p1 $0xFFFFF000  }
0x240: {  	[hbm4b:s0+s3] =	stream.strided.scatter @p1 [tilespmem:s1], [sflag:$0x5], $0x1000, s4, s3, $0x38;
	[tilespmem:$0x1F000] =	vst v63  }
0x241: {  	_ =	swait.ge @p1 [sflag:s2], $0x1000  }
0x242: {  	[sflag:s2] =	ssyncset.done @p1 $0x0  }
0x243: {  	s0 =	simm.s32 @!p0 $0x0;
	[sflag:s2] =	ssyncadd.s32 @p1 $0xFFFFF000  }
0x244: {  	[tilespmem:s0], [sflag:$0x5] =	stream.linear.gather @!p0 [hbm4b:s10+s0], $0x1000, $0x38;
	[tilespmem:$0x1F000] =	vst v63  }
0x245: {  	s1 =	simm.s32 @!p0 $0x3C00  }
0x246: {  	[tilespmem:s1], [sflag:$0x5] =	stream.linear.gather @!p0 [hbm4b:s24+s0], $0x1000, $0x38;
	[tilespmem:$0x1F000] =	vst v63  }
0x247: {  	s2 =	simm.s32 @!p0 $0x7800  }
0x248: {  	[tilespmem:s2], [sflag:$0x5] =	stream.linear.gather @!p0 [hbm4b:s23+s0], $0x1000, $0x38;
	[tilespmem:$0x1F000] =	vst v63  }
0x249: {  	s3 =	simm.s32 @!p0 $0xB400;
	s4 =	simm.s32 @!p0 $0x5  }
0x24a: {  	[tilespmem:s3], [sflag:$0x5] =	stream.linear.gather @!p0 [hbm4b:s17+s0], $0x1000, $0x38;
	[tilespmem:$0x1F000] =	vst v63  }
0x24b: {  	_ =	swait.ge @!p0 [sflag:s4], $0x4000  }
0x24c: {  	[sflag:s4] =	ssyncset.done @!p0 $0x0  }
0x24d: {  	[sflag:s4] =	ssyncadd.s32 @!p0 $0xFFFFC000  }
0x24e: {  	[hbm4b:s8+s0] =	stream.linear.scatter @!p0 [tilespmem:s0], [sflag:$0x5], $0x1000, $0x38;
	[tilespmem:$0x1F000] =	vst v63  }
0x24f: {  	_ = 	snop  }
0x250: {  	[hbm4b:s12+s0] =	stream.linear.scatter @!p0 [tilespmem:s1], [sflag:$0x5], $0x1000, $0x38;
	[tilespmem:$0x1F000] =	vst v63  }
0x251: {  	_ = 	snop  }
0x252: {  	[hbm4b:s15+s0] =	stream.linear.scatter @!p0 [tilespmem:s2], [sflag:$0x5], $0x1000, $0x38;
	[tilespmem:$0x1F000] =	vst v63  }
0x253: {  	_ = 	snop  }
0x254: {  	[hbm4b:s16+s0] =	stream.linear.scatter @!p0 [tilespmem:s3], [sflag:$0x5], $0x1000, $0x38;
	[tilespmem:$0x1F000] =	vst v63  }
0x255: {  	_ =	swait.ge @!p0 [sflag:s4], $0x4000  }
0x256: {  	[sflag:s4] =	ssyncset.done @!p0 $0x0  }
0x257: {  	[sflag:s4] =	ssyncadd.s32 @!p0 $0xFFFFC000  }
0x258: {  	_ =	sfence.sel $0x180000  }
0x259: {  	[bflag:$0x0] =	sbarrier.arrive $0xFFFF  }
0x25a: {  	p0 =	sne.s32 s9, $0x0;
	_ =	strace $0x90000047  }
0x25b: {  	s0 =	sadd.s32 @!p0 $0x100000, s22;
	[bflag:$0x2] =	sbarrier.arrive $0xFFFF  }
0x25c: {  	[sflag:s0] =	ssyncadd.tile.s32 @!p0 $0x1;
	_ =	shalt  }
.LBB2_2:
.Ltmp3:
0x25d: {  	(pc) =	sbr.rel .LBB2_5-.Ltmp3, $3  }
0x25e: {  	_ =	sdelay $0x1  }
0x25f: {  	s9 =	stileid.u32  }
0x260: {  	s22 =	rddreg [dreg:$0x2];
	s3 =	simm.s32 $0x7800;
	s4 =	simm.s32 $0xB400  }
.Lfunc_end2:
_tile_overlayer_lowered:
.L_overlay_start_2:
0x261: {  	(tag) =	ssettag $0x2  }
0x262: {  	s0 =	rddreg [dreg:$0x0];
	s2 =	stileid.u32  }
0x263: {  	s1 =	rddreg [dreg:$0x1];
	p0 =	sne.s32 s2, $0x0  }
0x264: {  	s3 =	rddreg [dreg:$0x2];
	[bflag:$0x3] =	sbarrier.arrive $0xFFFF;
	s2 =	simm.s32 @!p0 $0x1C05  }
0x265: {  	[timem:s3], [sflag:s2] =	dma.local @!p0 [hbm:s0], s1  }
0x266: {  	s0 =	simm.s32 @!p0 $0x5  }
0x267: {  	_ =	swait.ge @!p0 [sflag:s0], s1  }
0x268: {  	s1 =	ssub.s32 @!p0 $0x0, s1;
	[sflag:s0] =	ssyncset.done @!p0 $0x0  }
0x269: {  	[sflag:s0] =	ssyncadd.s32 @!p0 s1  }
0x26a: {  	[bflag:$0x3] =	sbarrier.arrive $0xFFFF  }
0x26b: {  	_ =	shalt  }

</sc_bundles>
